<compile_context>
chip_gen: v7x
topology: tpu7x:2x2x1
jax: 0.10.2.dev20260603
libtpu: 0.0.44.dev20260713+nightly
codegen_flags: <defaults>
</compile_context>

<pallas_src>
import functools

import jax
import jax.numpy as jnp
from jax import lax
from jax.experimental import pallas as pl
from jax.experimental.pallas import tpu as pltpu
from jax.experimental.pallas import tpu_sc as plsc

_N = 10000
_E = 320000
_DIN = 128
_DH = 64
_DOUT = 128

_NC = 2
_NS = 16
_NT = _NC * _NS
_CH = 128
_NCHK = 79
_PER_TILE = _CH * _NCHK
_EPAD = _NT * _PER_TILE
_NACC = 10240
_RPT = _NACC // _NS
_SRT = 128
_DEGW = 16
_NBUF = 5
_GD = 4
_SL = _NBUF - _GD


@functools.lru_cache(maxsize=None)
def _make_seg_sum(with_deg):
    mesh = plsc.VectorSubcoreMesh(core_axis_name="c", subcore_axis_name="s")
    out_types = [jax.ShapeDtypeStruct((_NC * _NACC, _DH), jnp.float32)]
    scratch = (
        [pltpu.VMEM((_NCHK, _CH), jnp.int32)] * 2 +
        [pltpu.VMEM((_CH, _DH), jnp.float32)] * _NBUF +
        [pltpu.VMEM((_SRT, _DH), jnp.float32)] +
        [pltpu.VMEM_SHARED((_NACC, _DH), jnp.float32)] +
        [pltpu.SemaphoreType.DMA] * (2 * _NBUF)
    )
    if with_deg:
        out_types.append(jax.ShapeDtypeStruct((_NC * _NACC, _DEGW),
                                              jnp.float32))
        scratch += [
            pltpu.VMEM((_CH, _DEGW), jnp.float32),
            pltpu.VMEM((_SRT, _DEGW), jnp.float32),
            pltpu.VMEM_SHARED((_NACC, _DEGW), jnp.float32),
        ]

    @functools.partial(
        pl.kernel, mesh=mesh, out_type=out_types, scratch_types=scratch,
        compiler_params=pltpu.CompilerParams(use_tc_tiling_on_sc=False))
    def seg(vals, edge_r, *rest):
        if with_deg:
            (out, outd, src_v, dst_v, r0, r1, r2, r3, r4, zbuf, acc,
             g0, g1, g2, g3, g4, s0, s1, s2, s3, s4,
             ones_v, zbufd, accd) = rest
        else:
            (out, src_v, dst_v, r0, r1, r2, r3, r4, zbuf, acc,
             g0, g1, g2, g3, g4, s0, s1, s2, s3, s4) = rest
        rbufs = (r0, r1, r2, r3, r4)
        gsems = (g0, g1, g2, g3, g4)
        ssems = (s0, s1, s2, s3, s4)
        c = lax.axis_index("c")
        s = lax.axis_index("s")
        tid = c * _NS + s
        rowb = s * _RPT

        zero16 = jnp.zeros((16,), jnp.float32)

        pltpu.async_copy(edge_r.at[tid], src_v, gsems[0])
        pltpu.async_copy(edge_r.at[_NT + tid], dst_v, gsems[1])

        def zrow(i, _):
            for j in range(_DH // 16):
                zbuf[i, pl.ds(j * 16, 16)] = zero16
            return 0
        lax.fori_loop(0, _SRT, zrow, 0)
        for k in range(_RPT // _SRT):
            pltpu.async_copy(zbuf, acc.at[pl.ds(rowb + k * _SRT, _SRT)],
                             ssems[0])

        if with_deg:
            def zdrow(i, _):
                zbufd[i, pl.ds(0, 16)] = zero16
                return 0
            lax.fori_loop(0, _SRT, zdrow, 0)
            for k in range(_RPT // _SRT):
                pltpu.async_copy(zbufd, accd.at[pl.ds(rowb + k * _SRT, _SRT)],
                                 ssems[1])

            one16 = jnp.full((16,), 1.0, jnp.float32)

            def orow(i, _):
                ones_v[i, pl.ds(0, 16)] = one16
                return 0
            lax.fori_loop(0, _CH, orow, 0)

        for k in range(_RPT // _SRT):
            pltpu.make_async_copy(zbuf, acc.at[pl.ds(rowb, _SRT)],
                                  ssems[0]).wait()
            if with_deg:
                pltpu.make_async_copy(zbufd, accd.at[pl.ds(rowb, _SRT)],
                                      ssems[1]).wait()
        pltpu.make_async_copy(edge_r.at[tid], src_v, gsems[0]).wait()
        pltpu.make_async_copy(edge_r.at[_NT + tid], dst_v, gsems[1]).wait()

        plsc.subcore_barrier()

        for g in range(_GD):
            pltpu.async_copy(vals.at[src_v.at[g]], rbufs[g], gsems[g])

        def chunk(j, _):
            for b in range(_NBUF):
                @pl.when(j % _NBUF == b)
                def _(b=b):
                    nb = (b + _GD) % _NBUF
                    pltpu.make_async_copy(vals.at[src_v.at[j]], rbufs[b],
                                          gsems[b]).wait()
                    pltpu.async_copy(rbufs[b], acc.at[dst_v.at[j]],
                                     ssems[b], add=True)
                    if with_deg:
                        pltpu.async_copy(ones_v, accd.at[dst_v.at[j]],
                                         ssems[b], add=True)

                    @pl.when(j >= _SL)
                    def _():
                        pltpu.make_async_copy(rbufs[nb], acc.at[dst_v.at[j]],
                                              ssems[nb]).wait()
                        if with_deg:
                            pltpu.make_async_copy(
                                ones_v, accd.at[dst_v.at[j]],
                                ssems[nb]).wait()

                    @pl.when(j + _GD < _NCHK)
                    def _():
                        pltpu.async_copy(vals.at[src_v.at[j + _GD]],
                                         rbufs[nb], gsems[nb])
            return 0
        lax.fori_loop(0, _NCHK, chunk, 0)

        for jj in range(_NCHK - _SL, _NCHK):
            pltpu.make_async_copy(rbufs[jj % _NBUF], acc.at[dst_v.at[0]],
                                  ssems[jj % _NBUF]).wait()
            if with_deg:
                pltpu.make_async_copy(ones_v, accd.at[dst_v.at[0]],
                                      ssems[jj % _NBUF]).wait()

        plsc.subcore_barrier()

        ob = c * _NACC + rowb
        pltpu.async_copy(acc.at[pl.ds(rowb, _RPT)],
                         out.at[pl.ds(ob, _RPT)], gsems[0])
        if with_deg:
            pltpu.async_copy(accd.at[pl.ds(rowb, _RPT)],
                             outd.at[pl.ds(ob, _RPT)], gsems[1])
            pltpu.make_async_copy(accd.at[pl.ds(rowb, _RPT)],
                                  outd.at[pl.ds(ob, _RPT)], gsems[1]).wait()
        pltpu.make_async_copy(acc.at[pl.ds(rowb, _RPT)],
                              out.at[pl.ds(ob, _RPT)], gsems[0]).wait()

    return seg


def _tc_proj(x, W):
    def body(x_ref, w_ref, y_ref):
        y_ref[...] = jnp.dot(x_ref[...], w_ref[...],
                             preferred_element_type=jnp.float32)

    return pl.pallas_call(
        body,
        out_shape=jax.ShapeDtypeStruct((x.shape[0], W.shape[1]), jnp.float32),
    )(x, W)


def _tc_mid(p1, pd, z1, b1):
    def body(p_ref, pd_ref, z1_ref, b1_ref, h_ref, d_ref):
        agg = p_ref[0:_N, :] + p_ref[_NACC:_NACC + _N, :]
        deg = pd_ref[0:_N, 0:1] + pd_ref[_NACC:_NACC + _N, 0:1]
        degc = jnp.maximum(deg, 1.0)
        mean = agg / degc
        h = jnp.maximum(mean + b1_ref[...] + z1_ref[...], 0.0)
        h_ref[...] = h
        d_ref[...] = jnp.broadcast_to(degc, (_N, 8))

    return pl.pallas_call(
        body,
        out_shape=[jax.ShapeDtypeStruct((_N, _DH), jnp.float32),
                   jax.ShapeDtypeStruct((_N, 8), jnp.float32)],
    )(p1, pd, z1, b1)


def _tc_post(p2, degc, z2, b2, W2l):
    def body(p_ref, d_ref, z2_ref, b2_ref, w_ref, o_ref):
        agg = p_ref[0:_N, :] + p_ref[_NACC:_NACC + _N, :]
        mean = agg / d_ref[:, 0:1]
        o_ref[...] = (jnp.dot(mean, w_ref[...], preferred_element_type=jnp.float32)
                      + b2_ref[...] + z2_ref[...])

    return pl.pallas_call(
        body,
        out_shape=jax.ShapeDtypeStruct((_N, _DOUT), jnp.float32),
    )(p2, degc, z2, b2, W2l)


def _first(res):
    return res[0] if isinstance(res, (list, tuple)) else res


def kernel(x, edge_index, W1l, b1, W1r, W2l, b2, W2r):
    ar = jnp.arange(_EPAD - _E, dtype=jnp.int32) % 16
    padblk = jnp.stack([ar, _N + ar])
    edge_r = jnp.concatenate([edge_index, padblk], axis=1).reshape(
        2 * _NT, _NCHK, _CH)

    y1 = _tc_proj(x, W1l)
    p1, pd = _make_seg_sum(True)(y1, edge_r)
    z1 = _tc_proj(x, W1r)
    h, degc = _tc_mid(p1, pd, z1, b1.reshape(1, _DH))
    p2 = _first(_make_seg_sum(False)(h, edge_r))
    z2 = _tc_proj(h, W2r)
    out = _tc_post(p2, degc, z2, b2.reshape(1, _DOUT), W2l)
    return out

# --- scband reference (transcript-rebuilt; emitter-appended) ---
"""Pipeline reference for scband-graph-sagemodel-87600152969452 (READ-ONLY COPY).

The authoritative reference and input builder live on the scoring server;
editing this copy changes nothing except your own understanding.
"""

import jax, jax.numpy as jnp
import numpy as np

N = 10000
E = 320000
D_IN = 128
D_H = 64
D_OUT = 128


def setup_inputs(seed: int = 0) -> dict:
    key = jax.random.key(seed)
    ks = jax.random.split(key, 10)
    x = jax.random.normal(ks[0], (N, D_IN), dtype=jnp.float32)
    edge_index = jax.random.randint(ks[1], (2, E), 0, N, dtype=jnp.int32)
    # SAGEConv layer 1 params: lin_l (applied to aggregated neighbors, has bias), lin_r (root/self)
    W1l = jax.random.normal(ks[2], (D_IN, D_H), dtype=jnp.float32) * 0.05
    b1 = jnp.zeros((D_H,), dtype=jnp.float32)
    W1r = jax.random.normal(ks[3], (D_IN, D_H), dtype=jnp.float32) * 0.05
    # SAGEConv layer 2 params
    W2l = jax.random.normal(ks[4], (D_H, D_OUT), dtype=jnp.float32) * 0.05
    b2 = jnp.zeros((D_OUT,), dtype=jnp.float32)
    W2r = jax.random.normal(ks[5], (D_H, D_OUT), dtype=jnp.float32) * 0.05
    return {"x": x, "edge_index": edge_index, "W1l": W1l, "b1": b1, "W1r": W1r,
            "W2l": W2l, "b2": b2, "W2r": W2r}


def _sage_conv(x, edge_index, Wl, bl, Wr):
    # PyG SAGEConv with aggr='mean', root_weight=True:
    #   out = lin_l(mean_{j in N(i)} x_j) + lin_r(x_i)
    src = edge_index[0]
    dst = edge_index[1]
    msgs = x[src]  # gather source-node features per edge
    agg = jax.ops.segment_sum(msgs, dst, num_segments=N)  # scatter-add to dst
    deg = jax.ops.segment_sum(jnp.ones((edge_index.shape[1],), dtype=x.dtype), dst, num_segments=N)
    mean = agg / jnp.clip(deg, 1.0)[:, None]
    return mean @ Wl + bl + x @ Wr


def reference(x, edge_index, W1l, b1, W1r, W2l, b2, W2r):
    h = _sage_conv(x, edge_index, W1l, b1, W1r)
    h = jax.nn.relu(h)
    # dropout is identity in eval / deterministic reference
    out = _sage_conv(h, edge_index, W2l, b2, W2r)
    return out

if __name__ == "__main__":
    import jax
    _d = setup_inputs()
    print(jax.jit(kernel)(*tuple(_d.values())))

</pallas_src>

<mosaic_0001>
#map = affine_map<(d0, d1) -> (0, 0)>
#map1 = affine_map<(d0, d1) -> (0, 0, 0)>
module attributes {stable_mosaic.version = 14 : i64} {
  func.func @seg(%arg0: i32, %arg1: i32, %arg2: memref<10000x64xf32, #tpu.memory_space<hbm>>, %arg3: memref<64x79x128xi32, #tpu.memory_space<hbm>>, %arg4: memref<20480x64xf32, #tpu.memory_space<hbm>>, %arg5: memref<20480x16xf32, #tpu.memory_space<hbm>>, %arg6: memref<79x128xi32, #tpu.memory_space<vmem>>, %arg7: memref<79x128xi32, #tpu.memory_space<vmem>>, %arg8: memref<128x64xf32, #tpu.memory_space<vmem>>, %arg9: memref<128x64xf32, #tpu.memory_space<vmem>>, %arg10: memref<128x64xf32, #tpu.memory_space<vmem>>, %arg11: memref<128x64xf32, #tpu.memory_space<vmem>>, %arg12: memref<128x64xf32, #tpu.memory_space<vmem>>, %arg13: memref<128x64xf32, #tpu.memory_space<vmem>>, %arg14: memref<10240x64xf32, #tpu.memory_space<vmem_shared>>, %arg15: memref<!tpu.dma_semaphore, #tpu.memory_space<semaphore_mem>>, %arg16: memref<!tpu.dma_semaphore, #tpu.memory_space<semaphore_mem>>, %arg17: memref<!tpu.dma_semaphore, #tpu.memory_space<semaphore_mem>>, %arg18: memref<!tpu.dma_semaphore, #tpu.memory_space<semaphore_mem>>, %arg19: memref<!tpu.dma_semaphore, #tpu.memory_space<semaphore_mem>>, %arg20: memref<!tpu.dma_semaphore, #tpu.memory_space<semaphore_mem>>, %arg21: memref<!tpu.dma_semaphore, #tpu.memory_space<semaphore_mem>>, %arg22: memref<!tpu.dma_semaphore, #tpu.memory_space<semaphore_mem>>, %arg23: memref<!tpu.dma_semaphore, #tpu.memory_space<semaphore_mem>>, %arg24: memref<!tpu.dma_semaphore, #tpu.memory_space<semaphore_mem>>, %arg25: memref<128x16xf32, #tpu.memory_space<vmem>>, %arg26: memref<128x16xf32, #tpu.memory_space<vmem>>, %arg27: memref<10240x16xf32, #tpu.memory_space<vmem_shared>>) attributes {dimension_semantics = [#tpu.dimension_semantics<core_parallel>, #tpu.dimension_semantics<subcore_parallel>], iteration_bounds = array<i64: 2, 16>, scalar_prefetch = 0 : i64, scratch_operands = 22 : i64, tpu.core_type = #tpu.core_type<sc_vector_subcore>, window_params = [{transform_indices = #map}, {transform_indices = #map1}, {transform_indices = #map}, {transform_indices = #map}]} {
    %mul3A = arith.constant 16 : i32
    %mul3A_0 = arith.muli %arg0, %mul3A : i32
    %add3A = arith.addi %mul3A_0, %arg1 : i32
    %mul3A_1 = arith.constant 640 : i32
    %mul3A_2 = arith.muli %arg1, %mul3A_1 : i32
    %broadcast_in_dim3A = arith.constant 0.000000e+00 : f32
    %broadcast_in_dim3A_3 = vector.broadcast %broadcast_in_dim3A : f32 to vector<16xf32>
    %dma_start3A = arith.constant 0 : i32
    %dma_start3A_4 = arith.constant 0 : i32
    %dma_start3A_5 = tpu.memref_slice %arg3[%add3A, %dma_start3A, %dma_start3A_4] : memref<64x79x128xi32, #tpu.memory_space<hbm>> -> memref<1x79x128xi32, #tpu.memory_space<hbm>>
    %dma_start3A_6 = tpu.memref_squeeze %dma_start3A_5 : memref<1x79x128xi32, #tpu.memory_space<hbm>> -> memref<79x128xi32, #tpu.memory_space<hbm>>
    %dma_start3A_7 = arith.constant 0 : i32
    %dma_start3A_8 = arith.constant 0 : i32
    %dma_start3A_9 = tpu.memref_slice %arg3[%add3A, %dma_start3A_7, %dma_start3A_8] : memref<64x79x128xi32, #tpu.memory_space<hbm>> -> memref<1x79x128xi32, #tpu.memory_space<hbm>>
    %dma_start3A_10 = tpu.memref_squeeze %dma_start3A_9 : memref<1x79x128xi32, #tpu.memory_space<hbm>> -> memref<79x128xi32, #tpu.memory_space<hbm>>
    tpu.enqueue_dma source(%dma_start3A_10 : memref<79x128xi32, #tpu.memory_space<hbm>>) target(%arg6 : memref<79x128xi32, #tpu.memory_space<vmem>>) target_semaphore(%arg15 : memref<!tpu.dma_semaphore, #tpu.memory_space<semaphore_mem>>)
    %add3A_11 = arith.constant 32 : i32
    %add3A_12 = arith.addi %add3A_11, %add3A : i32
    %dma_start3A_13 = arith.constant 0 : i32
    %dma_start3A_14 = arith.constant 0 : i32
    %dma_start3A_15 = tpu.memref_slice %arg3[%add3A_12, %dma_start3A_13, %dma_start3A_14] : memref<64x79x128xi32, #tpu.memory_space<hbm>> -> memref<1x79x128xi32, #tpu.memory_space<hbm>>
    %dma_start3A_16 = tpu.memref_squeeze %dma_start3A_15 : memref<1x79x128xi32, #tpu.memory_space<hbm>> -> memref<79x128xi32, #tpu.memory_space<hbm>>
    %dma_start3A_17 = arith.constant 0 : i32
    %dma_start3A_18 = arith.constant 0 : i32
    %dma_start3A_19 = tpu.memref_slice %arg3[%add3A_12, %dma_start3A_17, %dma_start3A_18] : memref<64x79x128xi32, #tpu.memory_space<hbm>> -> memref<1x79x128xi32, #tpu.memory_space<hbm>>
    %dma_start3A_20 = tpu.memref_squeeze %dma_start3A_19 : memref<1x79x128xi32, #tpu.memory_space<hbm>> -> memref<79x128xi32, #tpu.memory_space<hbm>>
    tpu.enqueue_dma source(%dma_start3A_20 : memref<79x128xi32, #tpu.memory_space<hbm>>) target(%arg7 : memref<79x128xi32, #tpu.memory_space<vmem>>) target_semaphore(%arg16 : memref<!tpu.dma_semaphore, #tpu.memory_space<semaphore_mem>>)
    %scan3A = arith.constant 0 : i32
    %scan3A_21 = arith.constant 0 : i32
    %scan3A_22 = arith.constant 128 : i32
    %scan3A_23 = arith.addi %scan3A_21, %scan3A_22 : i32
    %scan3A_24 = arith.constant 1 : i32
    %scan3A_25 = scf.for %scan3A_229 = %scan3A_21 to %scan3A_23 step %scan3A_24 iter_args(%scan3A_230 = %scan3A) -> (i32)  : i32 {
      %swap3A = arith.index_cast %scan3A_229 : i32 to index
      %swap3A_231 = arith.constant 0 : index
      %swap3A_232 = tpu.vector_load %arg13[%swap3A, %swap3A_231] {strides = array<i32>} : memref<128x64xf32, #tpu.memory_space<vmem>>, vector<1x16xf32>,
      %swap3A_233 = vector.shape_cast %swap3A_232 : vector<1x16xf32> to vector<16xf32>
      %swap3A_234 = vector.shape_cast %broadcast_in_dim3A_3 : vector<16xf32> to vector<1x16xf32>
      tpu.vector_store %arg13[%swap3A, %swap3A_231], %swap3A_234 {strides = array<i32>} : memref<128x64xf32, #tpu.memory_space<vmem>>, vector<1x16xf32>,
      %swap3A_235 = arith.index_cast %scan3A_229 : i32 to index
      %swap3A_236 = arith.constant 16 : index
      %swap3A_237 = tpu.vector_load %arg13[%swap3A_235, %swap3A_236] {strides = array<i32>} : memref<128x64xf32, #tpu.memory_space<vmem>>, vector<1x16xf32>,
      %swap3A_238 = vector.shape_cast %swap3A_237 : vector<1x16xf32> to vector<16xf32>
      %swap3A_239 = vector.shape_cast %broadcast_in_dim3A_3 : vector<16xf32> to vector<1x16xf32>
      tpu.vector_store %arg13[%swap3A_235, %swap3A_236], %swap3A_239 {strides = array<i32>} : memref<128x64xf32, #tpu.memory_space<vmem>>, vector<1x16xf32>,
      %swap3A_240 = arith.index_cast %scan3A_229 : i32 to index
      %swap3A_241 = arith.constant 32 : index
      %swap3A_242 = tpu.vector_load %arg13[%swap3A_240, %swap3A_241] {strides = array<i32>} : memref<128x64xf32, #tpu.memory_space<vmem>>, vector<1x16xf32>,
      %swap3A_243 = vector.shape_cast %swap3A_242 : vector<1x16xf32> to vector<16xf32>
      %swap3A_244 = vector.shape_cast %broadcast_in_dim3A_3 : vector<16xf32> to vector<1x16xf32>
      tpu.vector_store %arg13[%swap3A_240, %swap3A_241], %swap3A_244 {strides = array<i32>} : memref<128x64xf32, #tpu.memory_space<vmem>>, vector<1x16xf32>,
      %swap3A_245 = arith.index_cast %scan3A_229 : i32 to index
      %swap3A_246 = arith.constant 48 : index
      %swap3A_247 = tpu.vector_load %arg13[%swap3A_245, %swap3A_246] {strides = array<i32>} : memref<128x64xf32, #tpu.memory_space<vmem>>, vector<1x16xf32>,
      %swap3A_248 = vector.shape_cast %swap3A_247 : vector<1x16xf32> to vector<16xf32>
      %swap3A_249 = vector.shape_cast %broadcast_in_dim3A_3 : vector<16xf32> to vector<1x16xf32>
      tpu.vector_store %arg13[%swap3A_245, %swap3A_246], %swap3A_249 {strides = array<i32>} : memref<128x64xf32, #tpu.memory_space<vmem>>, vector<1x16xf32>,
      %scan3A_250 = arith.constant 0 : i32
      scf.yield %scan3A_250 : i32
    }
    %scan3A_26 = arith.constant 128 : i32
    %add3A_27 = arith.constant 0 : i32
    %add3A_28 = arith.addi %mul3A_2, %add3A_27 : i32
    %dma_start3A_29 = arith.constant 0 : i32
    %dma_start3A_30 = tpu.memref_slice %arg14[%add3A_28, %dma_start3A_29] : memref<10240x64xf32, #tpu.memory_space<vmem_shared>> -> memref<128x64xf32, #tpu.memory_space<vmem_shared>>
    %dma_start3A_31 = arith.constant 0 : i32
    %dma_start3A_32 = tpu.memref_slice %arg14[%add3A_28, %dma_start3A_31] : memref<10240x64xf32, #tpu.memory_space<vmem_shared>> -> memref<128x64xf32, #tpu.memory_space<vmem_shared>>
    tpu.enqueue_dma source(%arg13 : memref<128x64xf32, #tpu.memory_space<vmem>>) target(%dma_start3A_32 : memref<128x64xf32, #tpu.memory_space<vmem_shared>>) target_semaphore(%arg20 : memref<!tpu.dma_semaphore, #tpu.memory_space<semaphore_mem>>)
    %add3A_33 = arith.constant 128 : i32
    %add3A_34 = arith.addi %mul3A_2, %add3A_33 : i32
    %dma_start3A_35 = arith.constant 0 : i32
    %dma_start3A_36 = tpu.memref_slice %arg14[%add3A_34, %dma_start3A_35] : memref<10240x64xf32, #tpu.memory_space<vmem_shared>> -> memref<128x64xf32, #tpu.memory_space<vmem_shared>>
    %dma_start3A_37 = arith.constant 0 : i32
    %dma_start3A_38 = tpu.memref_slice %arg14[%add3A_34, %dma_start3A_37] : memref<10240x64xf32, #tpu.memory_space<vmem_shared>> -> memref<128x64xf32, #tpu.memory_space<vmem_shared>>
    tpu.enqueue_dma source(%arg13 : memref<128x64xf32, #tpu.memory_space<vmem>>) target(%dma_start3A_38 : memref<128x64xf32, #tpu.memory_space<vmem_shared>>) target_semaphore(%arg20 : memref<!tpu.dma_semaphore, #tpu.memory_space<semaphore_mem>>)
    %add3A_39 = arith.constant 256 : i32
    %add3A_40 = arith.addi %mul3A_2, %add3A_39 : i32
    %dma_start3A_41 = arith.constant 0 : i32
    %dma_start3A_42 = tpu.memref_slice %arg14[%add3A_40, %dma_start3A_41] : memref<10240x64xf32, #tpu.memory_space<vmem_shared>> -> memref<128x64xf32, #tpu.memory_space<vmem_shared>>
    %dma_start3A_43 = arith.constant 0 : i32
    %dma_start3A_44 = tpu.memref_slice %arg14[%add3A_40, %dma_start3A_43] : memref<10240x64xf32, #tpu.memory_space<vmem_shared>> -> memref<128x64xf32, #tpu.memory_space<vmem_shared>>
    tpu.enqueue_dma source(%arg13 : memref<128x64xf32, #tpu.memory_space<vmem>>) target(%dma_start3A_44 : memref<128x64xf32, #tpu.memory_space<vmem_shared>>) target_semaphore(%arg20 : memref<!tpu.dma_semaphore, #tpu.memory_space<semaphore_mem>>)
    %add3A_45 = arith.constant 384 : i32
    %add3A_46 = arith.addi %mul3A_2, %add3A_45 : i32
    %dma_start3A_47 = arith.constant 0 : i32
    %dma_start3A_48 = tpu.memref_slice %arg14[%add3A_46, %dma_start3A_47] : memref<10240x64xf32, #tpu.memory_space<vmem_shared>> -> memref<128x64xf32, #tpu.memory_space<vmem_shared>>
    %dma_start3A_49 = arith.constant 0 : i32
    %dma_start3A_50 = tpu.memref_slice %arg14[%add3A_46, %dma_start3A_49] : memref<10240x64xf32, #tpu.memory_space<vmem_shared>> -> memref<128x64xf32, #tpu.memory_space<vmem_shared>>
    tpu.enqueue_dma source(%arg13 : memref<128x64xf32, #tpu.memory_space<vmem>>) target(%dma_start3A_50 : memref<128x64xf32, #tpu.memory_space<vmem_shared>>) target_semaphore(%arg20 : memref<!tpu.dma_semaphore, #tpu.memory_space<semaphore_mem>>)
    %add3A_51 = arith.constant 512 : i32
    %add3A_52 = arith.addi %mul3A_2, %add3A_51 : i32
    %dma_start3A_53 = arith.constant 0 : i32
    %dma_start3A_54 = tpu.memref_slice %arg14[%add3A_52, %dma_start3A_53] : memref<10240x64xf32, #tpu.memory_space<vmem_shared>> -> memref<128x64xf32, #tpu.memory_space<vmem_shared>>
    %dma_start3A_55 = arith.constant 0 : i32
    %dma_start3A_56 = tpu.memref_slice %arg14[%add3A_52, %dma_start3A_55] : memref<10240x64xf32, #tpu.memory_space<vmem_shared>> -> memref<128x64xf32, #tpu.memory_space<vmem_shared>>
    tpu.enqueue_dma source(%arg13 : memref<128x64xf32, #tpu.memory_space<vmem>>) target(%dma_start3A_56 : memref<128x64xf32, #tpu.memory_space<vmem_shared>>) target_semaphore(%arg20 : memref<!tpu.dma_semaphore, #tpu.memory_space<semaphore_mem>>)
    %scan3A_57 = arith.constant 0 : i32
    %scan3A_58 = arith.constant 0 : i32
    %scan3A_59 = arith.constant 128 : i32
    %scan3A_60 = arith.addi %scan3A_58, %scan3A_59 : i32
    %scan3A_61 = arith.constant 1 : i32
    %scan3A_62 = scf.for %scan3A_229 = %scan3A_58 to %scan3A_60 step %scan3A_61 iter_args(%scan3A_230 = %scan3A_57) -> (i32)  : i32 {
      %swap3A = arith.index_cast %scan3A_229 : i32 to index
      %swap3A_231 = arith.constant 0 : index
      %swap3A_232 = tpu.vector_load %arg26[%swap3A, %swap3A_231] {strides = array<i32>} : memref<128x16xf32, #tpu.memory_space<vmem>>, vector<1x16xf32>,
      %swap3A_233 = vector.shape_cast %swap3A_232 : vector<1x16xf32> to vector<16xf32>
      %swap3A_234 = vector.shape_cast %broadcast_in_dim3A_3 : vector<16xf32> to vector<1x16xf32>
      tpu.vector_store %arg26[%swap3A, %swap3A_231], %swap3A_234 {strides = array<i32>} : memref<128x16xf32, #tpu.memory_space<vmem>>, vector<1x16xf32>,
      %scan3A_235 = arith.constant 0 : i32
      scf.yield %scan3A_235 : i32
    }
    %scan3A_63 = arith.constant 128 : i32
    %add3A_64 = arith.constant 0 : i32
    %add3A_65 = arith.addi %mul3A_2, %add3A_64 : i32
    %dma_start3A_66 = arith.constant 0 : i32
    %dma_start3A_67 = tpu.memref_slice %arg27[%add3A_65, %dma_start3A_66] : memref<10240x16xf32, #tpu.memory_space<vmem_shared>> -> memref<128x16xf32, #tpu.memory_space<vmem_shared>>
    %dma_start3A_68 = arith.constant 0 : i32
    %dma_start3A_69 = tpu.memref_slice %arg27[%add3A_65, %dma_start3A_68] : memref<10240x16xf32, #tpu.memory_space<vmem_shared>> -> memref<128x16xf32, #tpu.memory_space<vmem_shared>>
    tpu.enqueue_dma source(%arg26 : memref<128x16xf32, #tpu.memory_space<vmem>>) target(%dma_start3A_69 : memref<128x16xf32, #tpu.memory_space<vmem_shared>>) target_semaphore(%arg21 : memref<!tpu.dma_semaphore, #tpu.memory_space<semaphore_mem>>)
    %add3A_70 = arith.constant 128 : i32
    %add3A_71 = arith.addi %mul3A_2, %add3A_70 : i32
    %dma_start3A_72 = arith.constant 0 : i32
    %dma_start3A_73 = tpu.memref_slice %arg27[%add3A_71, %dma_start3A_72] : memref<10240x16xf32, #tpu.memory_space<vmem_shared>> -> memref<128x16xf32, #tpu.memory_space<vmem_shared>>
    %dma_start3A_74 = arith.constant 0 : i32
    %dma_start3A_75 = tpu.memref_slice %arg27[%add3A_71, %dma_start3A_74] : memref<10240x16xf32, #tpu.memory_space<vmem_shared>> -> memref<128x16xf32, #tpu.memory_space<vmem_shared>>
    tpu.enqueue_dma source(%arg26 : memref<128x16xf32, #tpu.memory_space<vmem>>) target(%dma_start3A_75 : memref<128x16xf32, #tpu.memory_space<vmem_shared>>) target_semaphore(%arg21 : memref<!tpu.dma_semaphore, #tpu.memory_space<semaphore_mem>>)
    %add3A_76 = arith.constant 256 : i32
    %add3A_77 = arith.addi %mul3A_2, %add3A_76 : i32
    %dma_start3A_78 = arith.constant 0 : i32
    %dma_start3A_79 = tpu.memref_slice %arg27[%add3A_77, %dma_start3A_78] : memref<10240x16xf32, #tpu.memory_space<vmem_shared>> -> memref<128x16xf32, #tpu.memory_space<vmem_shared>>
    %dma_start3A_80 = arith.constant 0 : i32
    %dma_start3A_81 = tpu.memref_slice %arg27[%add3A_77, %dma_start3A_80] : memref<10240x16xf32, #tpu.memory_space<vmem_shared>> -> memref<128x16xf32, #tpu.memory_space<vmem_shared>>
    tpu.enqueue_dma source(%arg26 : memref<128x16xf32, #tpu.memory_space<vmem>>) target(%dma_start3A_81 : memref<128x16xf32, #tpu.memory_space<vmem_shared>>) target_semaphore(%arg21 : memref<!tpu.dma_semaphore, #tpu.memory_space<semaphore_mem>>)
    %add3A_82 = arith.constant 384 : i32
    %add3A_83 = arith.addi %mul3A_2, %add3A_82 : i32
    %dma_start3A_84 = arith.constant 0 : i32
    %dma_start3A_85 = tpu.memref_slice %arg27[%add3A_83, %dma_start3A_84] : memref<10240x16xf32, #tpu.memory_space<vmem_shared>> -> memref<128x16xf32, #tpu.memory_space<vmem_shared>>
    %dma_start3A_86 = arith.constant 0 : i32
    %dma_start3A_87 = tpu.memref_slice %arg27[%add3A_83, %dma_start3A_86] : memref<10240x16xf32, #tpu.memory_space<vmem_shared>> -> memref<128x16xf32, #tpu.memory_space<vmem_shared>>
    tpu.enqueue_dma source(%arg26 : memref<128x16xf32, #tpu.memory_space<vmem>>) target(%dma_start3A_87 : memref<128x16xf32, #tpu.memory_space<vmem_shared>>) target_semaphore(%arg21 : memref<!tpu.dma_semaphore, #tpu.memory_space<semaphore_mem>>)
    %add3A_88 = arith.constant 512 : i32
    %add3A_89 = arith.addi %mul3A_2, %add3A_88 : i32
    %dma_start3A_90 = arith.constant 0 : i32
    %dma_start3A_91 = tpu.memref_slice %arg27[%add3A_89, %dma_start3A_90] : memref<10240x16xf32, #tpu.memory_space<vmem_shared>> -> memref<128x16xf32, #tpu.memory_space<vmem_shared>>
    %dma_start3A_92 = arith.constant 0 : i32
    %dma_start3A_93 = tpu.memref_slice %arg27[%add3A_89, %dma_start3A_92] : memref<10240x16xf32, #tpu.memory_space<vmem_shared>> -> memref<128x16xf32, #tpu.memory_space<vmem_shared>>
    tpu.enqueue_dma source(%arg26 : memref<128x16xf32, #tpu.memory_space<vmem>>) target(%dma_start3A_93 : memref<128x16xf32, #tpu.memory_space<vmem_shared>>) target_semaphore(%arg21 : memref<!tpu.dma_semaphore, #tpu.memory_space<semaphore_mem>>)
    %broadcast_in_dim3A_94 = arith.constant 1.000000e+00 : f32
    %broadcast_in_dim3A_95 = vector.broadcast %broadcast_in_dim3A_94 : f32 to vector<16xf32>
    %scan3A_96 = arith.constant 0 : i32
    %scan3A_97 = arith.constant 0 : i32
    %scan3A_98 = arith.constant 128 : i32
    %scan3A_99 = arith.addi %scan3A_97, %scan3A_98 : i32
    %scan3A_100 = arith.constant 1 : i32
    %scan3A_101 = scf.for %scan3A_229 = %scan3A_97 to %scan3A_99 step %scan3A_100 iter_args(%scan3A_230 = %scan3A_96) -> (i32)  : i32 {
      %swap3A = arith.index_cast %scan3A_229 : i32 to index
      %swap3A_231 = arith.constant 0 : index
      %swap3A_232 = tpu.vector_load %arg25[%swap3A, %swap3A_231] {strides = array<i32>} : memref<128x16xf32, #tpu.memory_space<vmem>>, vector<1x16xf32>,
      %swap3A_233 = vector.shape_cast %swap3A_232 : vector<1x16xf32> to vector<16xf32>
      %swap3A_234 = vector.shape_cast %broadcast_in_dim3A_95 : vector<16xf32> to vector<1x16xf32>
      tpu.vector_store %arg25[%swap3A, %swap3A_231], %swap3A_234 {strides = array<i32>} : memref<128x16xf32, #tpu.memory_space<vmem>>, vector<1x16xf32>,
      %scan3A_235 = arith.constant 0 : i32
      scf.yield %scan3A_235 : i32
    }
    %scan3A_102 = arith.constant 128 : i32
    %dma_wait3A = arith.constant 0 : i32
    %dma_wait3A_103 = tpu.memref_slice %arg14[%mul3A_2, %dma_wait3A] : memref<10240x64xf32, #tpu.memory_space<vmem_shared>> -> memref<128x64xf32, #tpu.memory_space<vmem_shared>>
    %dma_wait3A_104 = arith.constant 0 : i32
    %dma_wait3A_105 = tpu.memref_slice %arg14[%mul3A_2, %dma_wait3A_104] : memref<10240x64xf32, #tpu.memory_space<vmem_shared>> -> memref<128x64xf32, #tpu.memory_space<vmem_shared>>
    tpu.wait_dma2 semaphore(%arg20 : memref<!tpu.dma_semaphore, #tpu.memory_space<semaphore_mem>>) src(%arg13 : memref<128x64xf32, #tpu.memory_space<vmem>>) dst(%dma_wait3A_105 : memref<128x64xf32, #tpu.memory_space<vmem_shared>>)
    %dma_wait3A_106 = arith.constant 0 : i32
    %dma_wait3A_107 = tpu.memref_slice %arg27[%mul3A_2, %dma_wait3A_106] : memref<10240x16xf32, #tpu.memory_space<vmem_shared>> -> memref<128x16xf32, #tpu.memory_space<vmem_shared>>
    %dma_wait3A_108 = arith.constant 0 : i32
    %dma_wait3A_109 = tpu.memref_slice %arg27[%mul3A_2, %dma_wait3A_108] : memref<10240x16xf32, #tpu.memory_space<vmem_shared>> -> memref<128x16xf32, #tpu.memory_space<vmem_shared>>
    tpu.wait_dma2 semaphore(%arg21 : memref<!tpu.dma_semaphore, #tpu.memory_space<semaphore_mem>>) src(%arg26 : memref<128x16xf32, #tpu.memory_space<vmem>>) dst(%dma_wait3A_109 : memref<128x16xf32, #tpu.memory_space<vmem_shared>>)
    %dma_wait3A_110 = arith.constant 0 : i32
    %dma_wait3A_111 = tpu.memref_slice %arg14[%mul3A_2, %dma_wait3A_110] : memref<10240x64xf32, #tpu.memory_space<vmem_shared>> -> memref<128x64xf32, #tpu.memory_space<vmem_shared>>
    %dma_wait3A_112 = arith.constant 0 : i32
    %dma_wait3A_113 = tpu.memref_slice %arg14[%mul3A_2, %dma_wait3A_112] : memref<10240x64xf32, #tpu.memory_space<vmem_shared>> -> memref<128x64xf32, #tpu.memory_space<vmem_shared>>
    tpu.wait_dma2 semaphore(%arg20 : memref<!tpu.dma_semaphore, #tpu.memory_space<semaphore_mem>>) src(%arg13 : memref<128x64xf32, #tpu.memory_space<vmem>>) dst(%dma_wait3A_113 : memref<128x64xf32, #tpu.memory_space<vmem_shared>>)
    %dma_wait3A_114 = arith.constant 0 : i32
    %dma_wait3A_115 = tpu.memref_slice %arg27[%mul3A_2, %dma_wait3A_114] : memref<10240x16xf32, #tpu.memory_space<vmem_shared>> -> memref<128x16xf32, #tpu.memory_space<vmem_shared>>
    %dma_wait3A_116 = arith.constant 0 : i32
    %dma_wait3A_117 = tpu.memref_slice %arg27[%mul3A_2, %dma_wait3A_116] : memref<10240x16xf32, #tpu.memory_space<vmem_shared>> -> memref<128x16xf32, #tpu.memory_space<vmem_shared>>
    tpu.wait_dma2 semaphore(%arg21 : memref<!tpu.dma_semaphore, #tpu.memory_space<semaphore_mem>>) src(%arg26 : memref<128x16xf32, #tpu.memory_space<vmem>>) dst(%dma_wait3A_117 : memref<128x16xf32, #tpu.memory_space<vmem_shared>>)
    %dma_wait3A_118 = arith.constant 0 : i32
    %dma_wait3A_119 = tpu.memref_slice %arg14[%mul3A_2, %dma_wait3A_118] : memref<10240x64xf32, #tpu.memory_space<vmem_shared>> -> memref<128x64xf32, #tpu.memory_space<vmem_shared>>
    %dma_wait3A_120 = arith.constant 0 : i32
    %dma_wait3A_121 = tpu.memref_slice %arg14[%mul3A_2, %dma_wait3A_120] : memref<10240x64xf32, #tpu.memory_space<vmem_shared>> -> memref<128x64xf32, #tpu.memory_space<vmem_shared>>
    tpu.wait_dma2 semaphore(%arg20 : memref<!tpu.dma_semaphore, #tpu.memory_space<semaphore_mem>>) src(%arg13 : memref<128x64xf32, #tpu.memory_space<vmem>>) dst(%dma_wait3A_121 : memref<128x64xf32, #tpu.memory_space<vmem_shared>>)
    %dma_wait3A_122 = arith.constant 0 : i32
    %dma_wait3A_123 = tpu.memref_slice %arg27[%mul3A_2, %dma_wait3A_122] : memref<10240x16xf32, #tpu.memory_space<vmem_shared>> -> memref<128x16xf32, #tpu.memory_space<vmem_shared>>
    %dma_wait3A_124 = arith.constant 0 : i32
    %dma_wait3A_125 = tpu.memref_slice %arg27[%mul3A_2, %dma_wait3A_124] : memref<10240x16xf32, #tpu.memory_space<vmem_shared>> -> memref<128x16xf32, #tpu.memory_space<vmem_shared>>
    tpu.wait_dma2 semaphore(%arg21 : memref<!tpu.dma_semaphore, #tpu.memory_space<semaphore_mem>>) src(%arg26 : memref<128x16xf32, #tpu.memory_space<vmem>>) dst(%dma_wait3A_125 : memref<128x16xf32, #tpu.memory_space<vmem_shared>>)
    %dma_wait3A_126 = arith.constant 0 : i32
    %dma_wait3A_127 = tpu.memref_slice %arg14[%mul3A_2, %dma_wait3A_126] : memref<10240x64xf32, #tpu.memory_space<vmem_shared>> -> memref<128x64xf32, #tpu.memory_space<vmem_shared>>
    %dma_wait3A_128 = arith.constant 0 : i32
    %dma_wait3A_129 = tpu.memref_slice %arg14[%mul3A_2, %dma_wait3A_128] : memref<10240x64xf32, #tpu.memory_space<vmem_shared>> -> memref<128x64xf32, #tpu.memory_space<vmem_shared>>
    tpu.wait_dma2 semaphore(%arg20 : memref<!tpu.dma_semaphore, #tpu.memory_space<semaphore_mem>>) src(%arg13 : memref<128x64xf32, #tpu.memory_space<vmem>>) dst(%dma_wait3A_129 : memref<128x64xf32, #tpu.memory_space<vmem_shared>>)
    %dma_wait3A_130 = arith.constant 0 : i32
    %dma_wait3A_131 = tpu.memref_slice %arg27[%mul3A_2, %dma_wait3A_130] : memref<10240x16xf32, #tpu.memory_space<vmem_shared>> -> memref<128x16xf32, #tpu.memory_space<vmem_shared>>
    %dma_wait3A_132 = arith.constant 0 : i32
    %dma_wait3A_133 = tpu.memref_slice %arg27[%mul3A_2, %dma_wait3A_132] : memref<10240x16xf32, #tpu.memory_space<vmem_shared>> -> memref<128x16xf32, #tpu.memory_space<vmem_shared>>
    tpu.wait_dma2 semaphore(%arg21 : memref<!tpu.dma_semaphore, #tpu.memory_space<semaphore_mem>>) src(%arg26 : memref<128x16xf32, #tpu.memory_space<vmem>>) dst(%dma_wait3A_133 : memref<128x16xf32, #tpu.memory_space<vmem_shared>>)
    %dma_wait3A_134 = arith.constant 0 : i32
    %dma_wait3A_135 = tpu.memref_slice %arg14[%mul3A_2, %dma_wait3A_134] : memref<10240x64xf32, #tpu.memory_space<vmem_shared>> -> memref<128x64xf32, #tpu.memory_space<vmem_shared>>
    %dma_wait3A_136 = arith.constant 0 : i32
    %dma_wait3A_137 = tpu.memref_slice %arg14[%mul3A_2, %dma_wait3A_136] : memref<10240x64xf32, #tpu.memory_space<vmem_shared>> -> memref<128x64xf32, #tpu.memory_space<vmem_shared>>
    tpu.wait_dma2 semaphore(%arg20 : memref<!tpu.dma_semaphore, #tpu.memory_space<semaphore_mem>>) src(%arg13 : memref<128x64xf32, #tpu.memory_space<vmem>>) dst(%dma_wait3A_137 : memref<128x64xf32, #tpu.memory_space<vmem_shared>>)
    %dma_wait3A_138 = arith.constant 0 : i32
    %dma_wait3A_139 = tpu.memref_slice %arg27[%mul3A_2, %dma_wait3A_138] : memref<10240x16xf32, #tpu.memory_space<vmem_shared>> -> memref<128x16xf32, #tpu.memory_space<vmem_shared>>
    %dma_wait3A_140 = arith.constant 0 : i32
    %dma_wait3A_141 = tpu.memref_slice %arg27[%mul3A_2, %dma_wait3A_140] : memref<10240x16xf32, #tpu.memory_space<vmem_shared>> -> memref<128x16xf32, #tpu.memory_space<vmem_shared>>
    tpu.wait_dma2 semaphore(%arg21 : memref<!tpu.dma_semaphore, #tpu.memory_space<semaphore_mem>>) src(%arg26 : memref<128x16xf32, #tpu.memory_space<vmem>>) dst(%dma_wait3A_141 : memref<128x16xf32, #tpu.memory_space<vmem_shared>>)
    %dma_wait3A_142 = arith.constant 0 : i32
    %dma_wait3A_143 = arith.constant 0 : i32
    %dma_wait3A_144 = tpu.memref_slice %arg3[%add3A, %dma_wait3A_142, %dma_wait3A_143] : memref<64x79x128xi32, #tpu.memory_space<hbm>> -> memref<1x79x128xi32, #tpu.memory_space<hbm>>
    %dma_wait3A_145 = tpu.memref_squeeze %dma_wait3A_144 : memref<1x79x128xi32, #tpu.memory_space<hbm>> -> memref<79x128xi32, #tpu.memory_space<hbm>>
    %dma_wait3A_146 = arith.constant 0 : i32
    %dma_wait3A_147 = arith.constant 0 : i32
    %dma_wait3A_148 = tpu.memref_slice %arg3[%add3A, %dma_wait3A_146, %dma_wait3A_147] : memref<64x79x128xi32, #tpu.memory_space<hbm>> -> memref<1x79x128xi32, #tpu.memory_space<hbm>>
    %dma_wait3A_149 = tpu.memref_squeeze %dma_wait3A_148 : memref<1x79x128xi32, #tpu.memory_space<hbm>> -> memref<79x128xi32, #tpu.memory_space<hbm>>
    tpu.wait_dma2 semaphore(%arg15 : memref<!tpu.dma_semaphore, #tpu.memory_space<semaphore_mem>>) src(%dma_wait3A_149 : memref<79x128xi32, #tpu.memory_space<hbm>>) dst(%arg6 : memref<79x128xi32, #tpu.memory_space<vmem>>)
    %add3A_150 = arith.constant 32 : i32
    %add3A_151 = arith.addi %add3A_150, %add3A : i32
    %dma_wait3A_152 = arith.constant 0 : i32
    %dma_wait3A_153 = arith.constant 0 : i32
    %dma_wait3A_154 = tpu.memref_slice %arg3[%add3A_151, %dma_wait3A_152, %dma_wait3A_153] : memref<64x79x128xi32, #tpu.memory_space<hbm>> -> memref<1x79x128xi32, #tpu.memory_space<hbm>>
    %dma_wait3A_155 = tpu.memref_squeeze %dma_wait3A_154 : memref<1x79x128xi32, #tpu.memory_space<hbm>> -> memref<79x128xi32, #tpu.memory_space<hbm>>
    %dma_wait3A_156 = arith.constant 0 : i32
    %dma_wait3A_157 = arith.constant 0 : i32
    %dma_wait3A_158 = tpu.memref_slice %arg3[%add3A_151, %dma_wait3A_156, %dma_wait3A_157] : memref<64x79x128xi32, #tpu.memory_space<hbm>> -> memref<1x79x128xi32, #tpu.memory_space<hbm>>
    %dma_wait3A_159 = tpu.memref_squeeze %dma_wait3A_158 : memref<1x79x128xi32, #tpu.memory_space<hbm>> -> memref<79x128xi32, #tpu.memory_space<hbm>>
    tpu.wait_dma2 semaphore(%arg16 : memref<!tpu.dma_semaphore, #tpu.memory_space<semaphore_mem>>) src(%dma_wait3A_159 : memref<79x128xi32, #tpu.memory_space<hbm>>) dst(%arg7 : memref<79x128xi32, #tpu.memory_space<vmem>>)
    %barrier3A = arith.constant 0 : index
    tpu.barrier barrier_id(%barrier3A)
    %dma_start3A_160 = arith.constant 0 : i32
    %dma_start3A_161 = arith.constant 0 : i32
    %dma_start3A_162 = tpu.memref_slice %arg6[%dma_start3A_160, %dma_start3A_161] : memref<79x128xi32, #tpu.memory_space<vmem>> -> memref<1x128xi32, #tpu.memory_space<vmem>>
    %dma_start3A_163 = tpu.memref_squeeze %dma_start3A_162 : memref<1x128xi32, #tpu.memory_space<vmem>> -> memref<128xi32, #tpu.memory_space<vmem>>
    %dma_start3A_164 = arith.constant 0 : i32
    %dma_start3A_165 = arith.constant 0 : i32
    %dma_start3A_166 = tpu.memref_slice %arg2[%dma_start3A_164, %dma_start3A_165] : memref<10000x64xf32, #tpu.memory_space<hbm>> -> memref<10000x64xf32, #tpu.memory_space<hbm>>
    tpu.enqueue_indirect_dma source(%dma_start3A_166 : memref<10000x64xf32, #tpu.memory_space<hbm>>) target(%arg8 : memref<128x64xf32, #tpu.memory_space<vmem>>) offsets(%dma_start3A_163 : memref<128xi32, #tpu.memory_space<vmem>>) semaphore(%arg15 : memref<!tpu.dma_semaphore, #tpu.memory_space<semaphore_mem>>)
    %dma_start3A_167 = arith.constant 1 : i32
    %dma_start3A_168 = arith.constant 0 : i32
    %dma_start3A_169 = tpu.memref_slice %arg6[%dma_start3A_167, %dma_start3A_168] : memref<79x128xi32, #tpu.memory_space<vmem>> -> memref<1x128xi32, #tpu.memory_space<vmem>>
    %dma_start3A_170 = tpu.memref_squeeze %dma_start3A_169 : memref<1x128xi32, #tpu.memory_space<vmem>> -> memref<128xi32, #tpu.memory_space<vmem>>
    %dma_start3A_171 = arith.constant 0 : i32
    %dma_start3A_172 = arith.constant 0 : i32
    %dma_start3A_173 = tpu.memref_slice %arg2[%dma_start3A_171, %dma_start3A_172] : memref<10000x64xf32, #tpu.memory_space<hbm>> -> memref<10000x64xf32, #tpu.memory_space<hbm>>
    tpu.enqueue_indirect_dma source(%dma_start3A_173 : memref<10000x64xf32, #tpu.memory_space<hbm>>) target(%arg9 : memref<128x64xf32, #tpu.memory_space<vmem>>) offsets(%dma_start3A_170 : memref<128xi32, #tpu.memory_space<vmem>>) semaphore(%arg16 : memref<!tpu.dma_semaphore, #tpu.memory_space<semaphore_mem>>)
    %dma_start3A_174 = arith.constant 2 : i32
    %dma_start3A_175 = arith.constant 0 : i32
    %dma_start3A_176 = tpu.memref_slice %arg6[%dma_start3A_174, %dma_start3A_175] : memref<79x128xi32, #tpu.memory_space<vmem>> -> memref<1x128xi32, #tpu.memory_space<vmem>>
    %dma_start3A_177 = tpu.memref_squeeze %dma_start3A_176 : memref<1x128xi32, #tpu.memory_space<vmem>> -> memref<128xi32, #tpu.memory_space<vmem>>
    %dma_start3A_178 = arith.constant 0 : i32
    %dma_start3A_179 = arith.constant 0 : i32
    %dma_start3A_180 = tpu.memref_slice %arg2[%dma_start3A_178, %dma_start3A_179] : memref<10000x64xf32, #tpu.memory_space<hbm>> -> memref<10000x64xf32, #tpu.memory_space<hbm>>
    tpu.enqueue_indirect_dma source(%dma_start3A_180 : memref<10000x64xf32, #tpu.memory_space<hbm>>) target(%arg10 : memref<128x64xf32, #tpu.memory_space<vmem>>) offsets(%dma_start3A_177 : memref<128xi32, #tpu.memory_space<vmem>>) semaphore(%arg17 : memref<!tpu.dma_semaphore, #tpu.memory_space<semaphore_mem>>)
    %dma_start3A_181 = arith.constant 3 : i32
    %dma_start3A_182 = arith.constant 0 : i32
    %dma_start3A_183 = tpu.memref_slice %arg6[%dma_start3A_181, %dma_start3A_182] : memref<79x128xi32, #tpu.memory_space<vmem>> -> memref<1x128xi32, #tpu.memory_space<vmem>>
    %dma_start3A_184 = tpu.memref_squeeze %dma_start3A_183 : memref<1x128xi32, #tpu.memory_space<vmem>> -> memref<128xi32, #tpu.memory_space<vmem>>
    %dma_start3A_185 = arith.constant 0 : i32
    %dma_start3A_186 = arith.constant 0 : i32
    %dma_start3A_187 = tpu.memref_slice %arg2[%dma_start3A_185, %dma_start3A_186] : memref<10000x64xf32, #tpu.memory_space<hbm>> -> memref<10000x64xf32, #tpu.memory_space<hbm>>
    tpu.enqueue_indirect_dma source(%dma_start3A_187 : memref<10000x64xf32, #tpu.memory_space<hbm>>) target(%arg11 : memref<128x64xf32, #tpu.memory_space<vmem>>) offsets(%dma_start3A_184 : memref<128xi32, #tpu.memory_space<vmem>>) semaphore(%arg18 : memref<!tpu.dma_semaphore, #tpu.memory_space<semaphore_mem>>)
    %scan3A_188 = arith.constant 0 : i32
    %scan3A_189 = arith.constant 0 : i32
    %scan3A_190 = arith.constant 79 : i32
    %scan3A_191 = arith.addi %scan3A_189, %scan3A_190 : i32
    %scan3A_192 = arith.constant 1 : i32
    %scan3A_193 = scf.for %scan3A_229 = %scan3A_189 to %scan3A_191 step %scan3A_192 iter_args(%scan3A_230 = %scan3A_188) -> (i32)  : i32 {
      %jit3A = arith.constant 5 : i32
      %eq3A = arith.constant 0 : i32
      %eq3A_231 = arith.cmpi eq, %jit3A, %eq3A : i32
      %jit3A_232 = arith.constant 1 : i32
      %select_n3A = arith.select %eq3A_231, %jit3A_232, %jit3A : i32
      %rem3A = arith.remsi %scan3A_229, %select_n3A : i32
      %ne3A = arith.constant 0 : i32
      %ne3A_233 = arith.cmpi ne, %rem3A, %ne3A : i32
      %lt3A = arith.constant 0 : i32
      %lt3A_234 = arith.cmpi slt, %rem3A, %lt3A : i32
      %lt3A_235 = arith.constant 0 : i32
      %lt3A_236 = arith.cmpi slt, %select_n3A, %lt3A_235 : i32
      %ne3A_237 = arith.xori %lt3A_234, %lt3A_236 : i1
      %and3A = arith.andi %ne3A_237, %ne3A_233 : i1
      %add3A_238 = arith.addi %rem3A, %select_n3A : i32
      %select_n3A_239 = arith.select %and3A, %add3A_238, %rem3A : i32
      %eq3A_240 = arith.constant 0 : i32
      %eq3A_241 = arith.cmpi eq, %select_n3A_239, %eq3A_240 : i32
      %convert_element_type3A = arith.extui %eq3A_241 : i1 to i32
      %cond3A = arith.constant 0 : i32
      %cond3A_242 = arith.cmpi ne, %convert_element_type3A, %cond3A : i32
      scf.if %cond3A_242 {
        %dma_wait3A_328 = arith.constant 0 : i32
        %dma_wait3A_329 = tpu.memref_slice %arg6[%scan3A_229, %dma_wait3A_328] : memref<79x128xi32, #tpu.memory_space<vmem>> -> memref<1x128xi32, #tpu.memory_space<vmem>>
        %dma_wait3A_330 = tpu.memref_squeeze %dma_wait3A_329 : memref<1x128xi32, #tpu.memory_space<vmem>> -> memref<128xi32, #tpu.memory_space<vmem>>
        %dma_wait3A_331 = arith.constant 0 : i32
        %dma_wait3A_332 = arith.constant 0 : i32
        %dma_wait3A_333 = tpu.memref_slice %arg2[%dma_wait3A_331, %dma_wait3A_332] : memref<10000x64xf32, #tpu.memory_space<hbm>> -> memref<10000x64xf32, #tpu.memory_space<hbm>>
        tpu.wait_indirect_dma semaphore(%arg15 : memref<!tpu.dma_semaphore, #tpu.memory_space<semaphore_mem>>) src(%dma_wait3A_333 : memref<10000x64xf32, #tpu.memory_space<hbm>>) dst(%arg8 : memref<128x64xf32, #tpu.memory_space<vmem>>)
        %dma_start3A_334 = arith.constant 0 : i32
        %dma_start3A_335 = tpu.memref_slice %arg7[%scan3A_229, %dma_start3A_334] : memref<79x128xi32, #tpu.memory_space<vmem>> -> memref<1x128xi32, #tpu.memory_space<vmem>>
        %dma_start3A_336 = tpu.memref_squeeze %dma_start3A_335 : memref<1x128xi32, #tpu.memory_space<vmem>> -> memref<128xi32, #tpu.memory_space<vmem>>
        %dma_start3A_337 = arith.constant 0 : i32
        %dma_start3A_338 = arith.constant 0 : i32
        %dma_start3A_339 = tpu.memref_slice %arg14[%dma_start3A_337, %dma_start3A_338] : memref<10240x64xf32, #tpu.memory_space<vmem_shared>> -> memref<10240x64xf32, #tpu.memory_space<vmem_shared>>
        tpu.enqueue_indirect_dma source(%arg8 : memref<128x64xf32, #tpu.memory_space<vmem>>) target(%dma_start3A_339 : memref<10240x64xf32, #tpu.memory_space<vmem_shared>>) offsets(%dma_start3A_336 : memref<128xi32, #tpu.memory_space<vmem>>) semaphore(%arg20 : memref<!tpu.dma_semaphore, #tpu.memory_space<semaphore_mem>>) {add = true}
        %dma_start3A_340 = arith.constant 0 : i32
        %dma_start3A_341 = tpu.memref_slice %arg7[%scan3A_229, %dma_start3A_340] : memref<79x128xi32, #tpu.memory_space<vmem>> -> memref<1x128xi32, #tpu.memory_space<vmem>>
        %dma_start3A_342 = tpu.memref_squeeze %dma_start3A_341 : memref<1x128xi32, #tpu.memory_space<vmem>> -> memref<128xi32, #tpu.memory_space<vmem>>
        %dma_start3A_343 = arith.constant 0 : i32
        %dma_start3A_344 = arith.constant 0 : i32
        %dma_start3A_345 = tpu.memref_slice %arg27[%dma_start3A_343, %dma_start3A_344] : memref<10240x16xf32, #tpu.memory_space<vmem_shared>> -> memref<10240x16xf32, #tpu.memory_space<vmem_shared>>
        tpu.enqueue_indirect_dma source(%arg25 : memref<128x16xf32, #tpu.memory_space<vmem>>) target(%dma_start3A_345 : memref<10240x16xf32, #tpu.memory_space<vmem_shared>>) offsets(%dma_start3A_342 : memref<128xi32, #tpu.memory_space<vmem>>) semaphore(%arg20 : memref<!tpu.dma_semaphore, #tpu.memory_space<semaphore_mem>>) {add = true}
        %ge3A = arith.constant 1 : i32
        %ge3A_346 = arith.cmpi sge, %scan3A_229, %ge3A : i32
        %convert_element_type3A_347 = arith.extui %ge3A_346 : i1 to i32
        %cond3A_348 = arith.constant 0 : i32
        %cond3A_349 = arith.cmpi ne, %convert_element_type3A_347, %cond3A_348 : i32
        scf.if %cond3A_349 {
          %dma_wait3A_357 = arith.constant 0 : i32
          %dma_wait3A_358 = tpu.memref_slice %arg7[%scan3A_229, %dma_wait3A_357] : memref<79x128xi32, #tpu.memory_space<vmem>> -> memref<1x128xi32, #tpu.memory_space<vmem>>
          %dma_wait3A_359 = tpu.memref_squeeze %dma_wait3A_358 : memref<1x128xi32, #tpu.memory_space<vmem>> -> memref<128xi32, #tpu.memory_space<vmem>>
          %dma_wait3A_360 = arith.constant 0 : i32
          %dma_wait3A_361 = arith.constant 0 : i32
          %dma_wait3A_362 = tpu.memref_slice %arg14[%dma_wait3A_360, %dma_wait3A_361] : memref<10240x64xf32, #tpu.memory_space<vmem_shared>> -> memref<10240x64xf32, #tpu.memory_space<vmem_shared>>
          tpu.wait_indirect_dma semaphore(%arg24 : memref<!tpu.dma_semaphore, #tpu.memory_space<semaphore_mem>>) src(%arg12 : memref<128x64xf32, #tpu.memory_space<vmem>>) dst(%dma_wait3A_362 : memref<10240x64xf32, #tpu.memory_space<vmem_shared>>)
          %dma_wait3A_363 = arith.constant 0 : i32
          %dma_wait3A_364 = tpu.memref_slice %arg7[%scan3A_229, %dma_wait3A_363] : memref<79x128xi32, #tpu.memory_space<vmem>> -> memref<1x128xi32, #tpu.memory_space<vmem>>
          %dma_wait3A_365 = tpu.memref_squeeze %dma_wait3A_364 : memref<1x128xi32, #tpu.memory_space<vmem>> -> memref<128xi32, #tpu.memory_space<vmem>>
          %dma_wait3A_366 = arith.constant 0 : i32
          %dma_wait3A_367 = arith.constant 0 : i32
          %dma_wait3A_368 = tpu.memref_slice %arg27[%dma_wait3A_366, %dma_wait3A_367] : memref<10240x16xf32, #tpu.memory_space<vmem_shared>> -> memref<10240x16xf32, #tpu.memory_space<vmem_shared>>
          tpu.wait_indirect_dma semaphore(%arg24 : memref<!tpu.dma_semaphore, #tpu.memory_space<semaphore_mem>>) src(%arg25 : memref<128x16xf32, #tpu.memory_space<vmem>>) dst(%dma_wait3A_368 : memref<10240x16xf32, #tpu.memory_space<vmem_shared>>)
        } else {
        }
        %add3A_350 = arith.constant 4 : i32
        %add3A_351 = arith.addi %scan3A_229, %add3A_350 : i32
        %lt3A_352 = arith.constant 79 : i32
        %lt3A_353 = arith.cmpi slt, %add3A_351, %lt3A_352 : i32
        %convert_element_type3A_354 = arith.extui %lt3A_353 : i1 to i32
        %cond3A_355 = arith.constant 0 : i32
        %cond3A_356 = arith.cmpi ne, %convert_element_type3A_354, %cond3A_355 : i32
        scf.if %cond3A_356 {
          %add3A_357 = arith.constant 4 : i32
          %add3A_358 = arith.addi %scan3A_229, %add3A_357 : i32
          %dma_start3A_359 = arith.constant 0 : i32
          %dma_start3A_360 = tpu.memref_slice %arg6[%add3A_358, %dma_start3A_359] : memref<79x128xi32, #tpu.memory_space<vmem>> -> memref<1x128xi32, #tpu.memory_space<vmem>>
          %dma_start3A_361 = tpu.memref_squeeze %dma_start3A_360 : memref<1x128xi32, #tpu.memory_space<vmem>> -> memref<128xi32, #tpu.memory_space<vmem>>
          %dma_start3A_362 = arith.constant 0 : i32
          %dma_start3A_363 = arith.constant 0 : i32
          %dma_start3A_364 = tpu.memref_slice %arg2[%dma_start3A_362, %dma_start3A_363] : memref<10000x64xf32, #tpu.memory_space<hbm>> -> memref<10000x64xf32, #tpu.memory_space<hbm>>
          tpu.enqueue_indirect_dma source(%dma_start3A_364 : memref<10000x64xf32, #tpu.memory_space<hbm>>) target(%arg12 : memref<128x64xf32, #tpu.memory_space<vmem>>) offsets(%dma_start3A_361 : memref<128xi32, #tpu.memory_space<vmem>>) semaphore(%arg19 : memref<!tpu.dma_semaphore, #tpu.memory_space<semaphore_mem>>)
        } else {
        }
      } else {
      }
      %jit3A_243 = arith.constant 5 : i32
      %eq3A_244 = arith.constant 0 : i32
      %eq3A_245 = arith.cmpi eq, %jit3A_243, %eq3A_244 : i32
      %jit3A_246 = arith.constant 1 : i32
      %select_n3A_247 = arith.select %eq3A_245, %jit3A_246, %jit3A_243 : i32
      %rem3A_248 = arith.remsi %scan3A_229, %select_n3A_247 : i32
      %ne3A_249 = arith.constant 0 : i32
      %ne3A_250 = arith.cmpi ne, %rem3A_248, %ne3A_249 : i32
      %lt3A_251 = arith.constant 0 : i32
      %lt3A_252 = arith.cmpi slt, %rem3A_248, %lt3A_251 : i32
      %lt3A_253 = arith.constant 0 : i32
      %lt3A_254 = arith.cmpi slt, %select_n3A_247, %lt3A_253 : i32
      %ne3A_255 = arith.xori %lt3A_252, %lt3A_254 : i1
      %and3A_256 = arith.andi %ne3A_255, %ne3A_250 : i1
      %add3A_257 = arith.addi %rem3A_248, %select_n3A_247 : i32
      %select_n3A_258 = arith.select %and3A_256, %add3A_257, %rem3A_248 : i32
      %eq3A_259 = arith.constant 1 : i32
      %eq3A_260 = arith.cmpi eq, %select_n3A_258, %eq3A_259 : i32
      %convert_element_type3A_261 = arith.extui %eq3A_260 : i1 to i32
      %cond3A_262 = arith.constant 0 : i32
      %cond3A_263 = arith.cmpi ne, %convert_element_type3A_261, %cond3A_262 : i32
      scf.if %cond3A_263 {
        %dma_wait3A_328 = arith.constant 0 : i32
        %dma_wait3A_329 = tpu.memref_slice %arg6[%scan3A_229, %dma_wait3A_328] : memref<79x128xi32, #tpu.memory_space<vmem>> -> memref<1x128xi32, #tpu.memory_space<vmem>>
        %dma_wait3A_330 = tpu.memref_squeeze %dma_wait3A_329 : memref<1x128xi32, #tpu.memory_space<vmem>> -> memref<128xi32, #tpu.memory_space<vmem>>
        %dma_wait3A_331 = arith.constant 0 : i32
        %dma_wait3A_332 = arith.constant 0 : i32
        %dma_wait3A_333 = tpu.memref_slice %arg2[%dma_wait3A_331, %dma_wait3A_332] : memref<10000x64xf32, #tpu.memory_space<hbm>> -> memref<10000x64xf32, #tpu.memory_space<hbm>>
        tpu.wait_indirect_dma semaphore(%arg16 : memref<!tpu.dma_semaphore, #tpu.memory_space<semaphore_mem>>) src(%dma_wait3A_333 : memref<10000x64xf32, #tpu.memory_space<hbm>>) dst(%arg9 : memref<128x64xf32, #tpu.memory_space<vmem>>)
        %dma_start3A_334 = arith.constant 0 : i32
        %dma_start3A_335 = tpu.memref_slice %arg7[%scan3A_229, %dma_start3A_334] : memref<79x128xi32, #tpu.memory_space<vmem>> -> memref<1x128xi32, #tpu.memory_space<vmem>>
        %dma_start3A_336 = tpu.memref_squeeze %dma_start3A_335 : memref<1x128xi32, #tpu.memory_space<vmem>> -> memref<128xi32, #tpu.memory_space<vmem>>
        %dma_start3A_337 = arith.constant 0 : i32
        %dma_start3A_338 = arith.constant 0 : i32
        %dma_start3A_339 = tpu.memref_slice %arg14[%dma_start3A_337, %dma_start3A_338] : memref<10240x64xf32, #tpu.memory_space<vmem_shared>> -> memref<10240x64xf32, #tpu.memory_space<vmem_shared>>
        tpu.enqueue_indirect_dma source(%arg9 : memref<128x64xf32, #tpu.memory_space<vmem>>) target(%dma_start3A_339 : memref<10240x64xf32, #tpu.memory_space<vmem_shared>>) offsets(%dma_start3A_336 : memref<128xi32, #tpu.memory_space<vmem>>) semaphore(%arg21 : memref<!tpu.dma_semaphore, #tpu.memory_space<semaphore_mem>>) {add = true}
        %dma_start3A_340 = arith.constant 0 : i32
        %dma_start3A_341 = tpu.memref_slice %arg7[%scan3A_229, %dma_start3A_340] : memref<79x128xi32, #tpu.memory_space<vmem>> -> memref<1x128xi32, #tpu.memory_space<vmem>>
        %dma_start3A_342 = tpu.memref_squeeze %dma_start3A_341 : memref<1x128xi32, #tpu.memory_space<vmem>> -> memref<128xi32, #tpu.memory_space<vmem>>
        %dma_start3A_343 = arith.constant 0 : i32
        %dma_start3A_344 = arith.constant 0 : i32
        %dma_start3A_345 = tpu.memref_slice %arg27[%dma_start3A_343, %dma_start3A_344] : memref<10240x16xf32, #tpu.memory_space<vmem_shared>> -> memref<10240x16xf32, #tpu.memory_space<vmem_shared>>
        tpu.enqueue_indirect_dma source(%arg25 : memref<128x16xf32, #tpu.memory_space<vmem>>) target(%dma_start3A_345 : memref<10240x16xf32, #tpu.memory_space<vmem_shared>>) offsets(%dma_start3A_342 : memref<128xi32, #tpu.memory_space<vmem>>) semaphore(%arg21 : memref<!tpu.dma_semaphore, #tpu.memory_space<semaphore_mem>>) {add = true}
        %ge3A = arith.constant 1 : i32
        %ge3A_346 = arith.cmpi sge, %scan3A_229, %ge3A : i32
        %convert_element_type3A_347 = arith.extui %ge3A_346 : i1 to i32
        %cond3A_348 = arith.constant 0 : i32
        %cond3A_349 = arith.cmpi ne, %convert_element_type3A_347, %cond3A_348 : i32
        scf.if %cond3A_349 {
          %dma_wait3A_357 = arith.constant 0 : i32
          %dma_wait3A_358 = tpu.memref_slice %arg7[%scan3A_229, %dma_wait3A_357] : memref<79x128xi32, #tpu.memory_space<vmem>> -> memref<1x128xi32, #tpu.memory_space<vmem>>
          %dma_wait3A_359 = tpu.memref_squeeze %dma_wait3A_358 : memref<1x128xi32, #tpu.memory_space<vmem>> -> memref<128xi32, #tpu.memory_space<vmem>>
          %dma_wait3A_360 = arith.constant 0 : i32
          %dma_wait3A_361 = arith.constant 0 : i32
          %dma_wait3A_362 = tpu.memref_slice %arg14[%dma_wait3A_360, %dma_wait3A_361] : memref<10240x64xf32, #tpu.memory_space<vmem_shared>> -> memref<10240x64xf32, #tpu.memory_space<vmem_shared>>
          tpu.wait_indirect_dma semaphore(%arg20 : memref<!tpu.dma_semaphore, #tpu.memory_space<semaphore_mem>>) src(%arg8 : memref<128x64xf32, #tpu.memory_space<vmem>>) dst(%dma_wait3A_362 : memref<10240x64xf32, #tpu.memory_space<vmem_shared>>)
          %dma_wait3A_363 = arith.constant 0 : i32
          %dma_wait3A_364 = tpu.memref_slice %arg7[%scan3A_229, %dma_wait3A_363] : memref<79x128xi32, #tpu.memory_space<vmem>> -> memref<1x128xi32, #tpu.memory_space<vmem>>
          %dma_wait3A_365 = tpu.memref_squeeze %dma_wait3A_364 : memref<1x128xi32, #tpu.memory_space<vmem>> -> memref<128xi32, #tpu.memory_space<vmem>>
          %dma_wait3A_366 = arith.constant 0 : i32
          %dma_wait3A_367 = arith.constant 0 : i32
          %dma_wait3A_368 = tpu.memref_slice %arg27[%dma_wait3A_366, %dma_wait3A_367] : memref<10240x16xf32, #tpu.memory_space<vmem_shared>> -> memref<10240x16xf32, #tpu.memory_space<vmem_shared>>
          tpu.wait_indirect_dma semaphore(%arg20 : memref<!tpu.dma_semaphore, #tpu.memory_space<semaphore_mem>>) src(%arg25 : memref<128x16xf32, #tpu.memory_space<vmem>>) dst(%dma_wait3A_368 : memref<10240x16xf32, #tpu.memory_space<vmem_shared>>)
        } else {
        }
        %add3A_350 = arith.constant 4 : i32
        %add3A_351 = arith.addi %scan3A_229, %add3A_350 : i32
        %lt3A_352 = arith.constant 79 : i32
        %lt3A_353 = arith.cmpi slt, %add3A_351, %lt3A_352 : i32
        %convert_element_type3A_354 = arith.extui %lt3A_353 : i1 to i32
        %cond3A_355 = arith.constant 0 : i32
        %cond3A_356 = arith.cmpi ne, %convert_element_type3A_354, %cond3A_355 : i32
        scf.if %cond3A_356 {
          %add3A_357 = arith.constant 4 : i32
          %add3A_358 = arith.addi %scan3A_229, %add3A_357 : i32
          %dma_start3A_359 = arith.constant 0 : i32
          %dma_start3A_360 = tpu.memref_slice %arg6[%add3A_358, %dma_start3A_359] : memref<79x128xi32, #tpu.memory_space<vmem>> -> memref<1x128xi32, #tpu.memory_space<vmem>>
          %dma_start3A_361 = tpu.memref_squeeze %dma_start3A_360 : memref<1x128xi32, #tpu.memory_space<vmem>> -> memref<128xi32, #tpu.memory_space<vmem>>
          %dma_start3A_362 = arith.constant 0 : i32
          %dma_start3A_363 = arith.constant 0 : i32
          %dma_start3A_364 = tpu.memref_slice %arg2[%dma_start3A_362, %dma_start3A_363] : memref<10000x64xf32, #tpu.memory_space<hbm>> -> memref<10000x64xf32, #tpu.memory_space<hbm>>
          tpu.enqueue_indirect_dma source(%dma_start3A_364 : memref<10000x64xf32, #tpu.memory_space<hbm>>) target(%arg8 : memref<128x64xf32, #tpu.memory_space<vmem>>) offsets(%dma_start3A_361 : memref<128xi32, #tpu.memory_space<vmem>>) semaphore(%arg15 : memref<!tpu.dma_semaphore, #tpu.memory_space<semaphore_mem>>)
        } else {
        }
      } else {
      }
      %jit3A_264 = arith.constant 5 : i32
      %eq3A_265 = arith.constant 0 : i32
      %eq3A_266 = arith.cmpi eq, %jit3A_264, %eq3A_265 : i32
      %jit3A_267 = arith.constant 1 : i32
      %select_n3A_268 = arith.select %eq3A_266, %jit3A_267, %jit3A_264 : i32
      %rem3A_269 = arith.remsi %scan3A_229, %select_n3A_268 : i32
      %ne3A_270 = arith.constant 0 : i32
      %ne3A_271 = arith.cmpi ne, %rem3A_269, %ne3A_270 : i32
      %lt3A_272 = arith.constant 0 : i32
      %lt3A_273 = arith.cmpi slt, %rem3A_269, %lt3A_272 : i32
      %lt3A_274 = arith.constant 0 : i32
      %lt3A_275 = arith.cmpi slt, %select_n3A_268, %lt3A_274 : i32
      %ne3A_276 = arith.xori %lt3A_273, %lt3A_275 : i1
      %and3A_277 = arith.andi %ne3A_276, %ne3A_271 : i1
      %add3A_278 = arith.addi %rem3A_269, %select_n3A_268 : i32
      %select_n3A_279 = arith.select %and3A_277, %add3A_278, %rem3A_269 : i32
      %eq3A_280 = arith.constant 2 : i32
      %eq3A_281 = arith.cmpi eq, %select_n3A_279, %eq3A_280 : i32
      %convert_element_type3A_282 = arith.extui %eq3A_281 : i1 to i32
      %cond3A_283 = arith.constant 0 : i32
      %cond3A_284 = arith.cmpi ne, %convert_element_type3A_282, %cond3A_283 : i32
      scf.if %cond3A_284 {
        %dma_wait3A_328 = arith.constant 0 : i32
        %dma_wait3A_329 = tpu.memref_slice %arg6[%scan3A_229, %dma_wait3A_328] : memref<79x128xi32, #tpu.memory_space<vmem>> -> memref<1x128xi32, #tpu.memory_space<vmem>>
        %dma_wait3A_330 = tpu.memref_squeeze %dma_wait3A_329 : memref<1x128xi32, #tpu.memory_space<vmem>> -> memref<128xi32, #tpu.memory_space<vmem>>
        %dma_wait3A_331 = arith.constant 0 : i32
        %dma_wait3A_332 = arith.constant 0 : i32
        %dma_wait3A_333 = tpu.memref_slice %arg2[%dma_wait3A_331, %dma_wait3A_332] : memref<10000x64xf32, #tpu.memory_space<hbm>> -> memref<10000x64xf32, #tpu.memory_space<hbm>>
        tpu.wait_indirect_dma semaphore(%arg17 : memref<!tpu.dma_semaphore, #tpu.memory_space<semaphore_mem>>) src(%dma_wait3A_333 : memref<10000x64xf32, #tpu.memory_space<hbm>>) dst(%arg10 : memref<128x64xf32, #tpu.memory_space<vmem>>)
        %dma_start3A_334 = arith.constant 0 : i32
        %dma_start3A_335 = tpu.memref_slice %arg7[%scan3A_229, %dma_start3A_334] : memref<79x128xi32, #tpu.memory_space<vmem>> -> memref<1x128xi32, #tpu.memory_space<vmem>>
        %dma_start3A_336 = tpu.memref_squeeze %dma_start3A_335 : memref<1x128xi32, #tpu.memory_space<vmem>> -> memref<128xi32, #tpu.memory_space<vmem>>
        %dma_start3A_337 = arith.constant 0 : i32
        %dma_start3A_338 = arith.constant 0 : i32
        %dma_start3A_339 = tpu.memref_slice %arg14[%dma_start3A_337, %dma_start3A_338] : memref<10240x64xf32, #tpu.memory_space<vmem_shared>> -> memref<10240x64xf32, #tpu.memory_space<vmem_shared>>
        tpu.enqueue_indirect_dma source(%arg10 : memref<128x64xf32, #tpu.memory_space<vmem>>) target(%dma_start3A_339 : memref<10240x64xf32, #tpu.memory_space<vmem_shared>>) offsets(%dma_start3A_336 : memref<128xi32, #tpu.memory_space<vmem>>) semaphore(%arg22 : memref<!tpu.dma_semaphore, #tpu.memory_space<semaphore_mem>>) {add = true}
        %dma_start3A_340 = arith.constant 0 : i32
        %dma_start3A_341 = tpu.memref_slice %arg7[%scan3A_229, %dma_start3A_340] : memref<79x128xi32, #tpu.memory_space<vmem>> -> memref<1x128xi32, #tpu.memory_space<vmem>>
        %dma_start3A_342 = tpu.memref_squeeze %dma_start3A_341 : memref<1x128xi32, #tpu.memory_space<vmem>> -> memref<128xi32, #tpu.memory_space<vmem>>
        %dma_start3A_343 = arith.constant 0 : i32
        %dma_start3A_344 = arith.constant 0 : i32
        %dma_start3A_345 = tpu.memref_slice %arg27[%dma_start3A_343, %dma_start3A_344] : memref<10240x16xf32, #tpu.memory_space<vmem_shared>> -> memref<10240x16xf32, #tpu.memory_space<vmem_shared>>
        tpu.enqueue_indirect_dma source(%arg25 : memref<128x16xf32, #tpu.memory_space<vmem>>) target(%dma_start3A_345 : memref<10240x16xf32, #tpu.memory_space<vmem_shared>>) offsets(%dma_start3A_342 : memref<128xi32, #tpu.memory_space<vmem>>) semaphore(%arg22 : memref<!tpu.dma_semaphore, #tpu.memory_space<semaphore_mem>>) {add = true}
        %ge3A = arith.constant 1 : i32
        %ge3A_346 = arith.cmpi sge, %scan3A_229, %ge3A : i32
        %convert_element_type3A_347 = arith.extui %ge3A_346 : i1 to i32
        %cond3A_348 = arith.constant 0 : i32
        %cond3A_349 = arith.cmpi ne, %convert_element_type3A_347, %cond3A_348 : i32
        scf.if %cond3A_349 {
          %dma_wait3A_357 = arith.constant 0 : i32
          %dma_wait3A_358 = tpu.memref_slice %arg7[%scan3A_229, %dma_wait3A_357] : memref<79x128xi32, #tpu.memory_space<vmem>> -> memref<1x128xi32, #tpu.memory_space<vmem>>
          %dma_wait3A_359 = tpu.memref_squeeze %dma_wait3A_358 : memref<1x128xi32, #tpu.memory_space<vmem>> -> memref<128xi32, #tpu.memory_space<vmem>>
          %dma_wait3A_360 = arith.constant 0 : i32
          %dma_wait3A_361 = arith.constant 0 : i32
          %dma_wait3A_362 = tpu.memref_slice %arg14[%dma_wait3A_360, %dma_wait3A_361] : memref<10240x64xf32, #tpu.memory_space<vmem_shared>> -> memref<10240x64xf32, #tpu.memory_space<vmem_shared>>
          tpu.wait_indirect_dma semaphore(%arg21 : memref<!tpu.dma_semaphore, #tpu.memory_space<semaphore_mem>>) src(%arg9 : memref<128x64xf32, #tpu.memory_space<vmem>>) dst(%dma_wait3A_362 : memref<10240x64xf32, #tpu.memory_space<vmem_shared>>)
          %dma_wait3A_363 = arith.constant 0 : i32
          %dma_wait3A_364 = tpu.memref_slice %arg7[%scan3A_229, %dma_wait3A_363] : memref<79x128xi32, #tpu.memory_space<vmem>> -> memref<1x128xi32, #tpu.memory_space<vmem>>
          %dma_wait3A_365 = tpu.memref_squeeze %dma_wait3A_364 : memref<1x128xi32, #tpu.memory_space<vmem>> -> memref<128xi32, #tpu.memory_space<vmem>>
          %dma_wait3A_366 = arith.constant 0 : i32
          %dma_wait3A_367 = arith.constant 0 : i32
          %dma_wait3A_368 = tpu.memref_slice %arg27[%dma_wait3A_366, %dma_wait3A_367] : memref<10240x16xf32, #tpu.memory_space<vmem_shared>> -> memref<10240x16xf32, #tpu.memory_space<vmem_shared>>
          tpu.wait_indirect_dma semaphore(%arg21 : memref<!tpu.dma_semaphore, #tpu.memory_space<semaphore_mem>>) src(%arg25 : memref<128x16xf32, #tpu.memory_space<vmem>>) dst(%dma_wait3A_368 : memref<10240x16xf32, #tpu.memory_space<vmem_shared>>)
        } else {
        }
        %add3A_350 = arith.constant 4 : i32
        %add3A_351 = arith.addi %scan3A_229, %add3A_350 : i32
        %lt3A_352 = arith.constant 79 : i32
        %lt3A_353 = arith.cmpi slt, %add3A_351, %lt3A_352 : i32
        %convert_element_type3A_354 = arith.extui %lt3A_353 : i1 to i32
        %cond3A_355 = arith.constant 0 : i32
        %cond3A_356 = arith.cmpi ne, %convert_element_type3A_354, %cond3A_355 : i32
        scf.if %cond3A_356 {
          %add3A_357 = arith.constant 4 : i32
          %add3A_358 = arith.addi %scan3A_229, %add3A_357 : i32
          %dma_start3A_359 = arith.constant 0 : i32
          %dma_start3A_360 = tpu.memref_slice %arg6[%add3A_358, %dma_start3A_359] : memref<79x128xi32, #tpu.memory_space<vmem>> -> memref<1x128xi32, #tpu.memory_space<vmem>>
          %dma_start3A_361 = tpu.memref_squeeze %dma_start3A_360 : memref<1x128xi32, #tpu.memory_space<vmem>> -> memref<128xi32, #tpu.memory_space<vmem>>
          %dma_start3A_362 = arith.constant 0 : i32
          %dma_start3A_363 = arith.constant 0 : i32
          %dma_start3A_364 = tpu.memref_slice %arg2[%dma_start3A_362, %dma_start3A_363] : memref<10000x64xf32, #tpu.memory_space<hbm>> -> memref<10000x64xf32, #tpu.memory_space<hbm>>
          tpu.enqueue_indirect_dma source(%dma_start3A_364 : memref<10000x64xf32, #tpu.memory_space<hbm>>) target(%arg9 : memref<128x64xf32, #tpu.memory_space<vmem>>) offsets(%dma_start3A_361 : memref<128xi32, #tpu.memory_space<vmem>>) semaphore(%arg16 : memref<!tpu.dma_semaphore, #tpu.memory_space<semaphore_mem>>)
        } else {
        }
      } else {
      }
      %jit3A_285 = arith.constant 5 : i32
      %eq3A_286 = arith.constant 0 : i32
      %eq3A_287 = arith.cmpi eq, %jit3A_285, %eq3A_286 : i32
      %jit3A_288 = arith.constant 1 : i32
      %select_n3A_289 = arith.select %eq3A_287, %jit3A_288, %jit3A_285 : i32
      %rem3A_290 = arith.remsi %scan3A_229, %select_n3A_289 : i32
      %ne3A_291 = arith.constant 0 : i32
      %ne3A_292 = arith.cmpi ne, %rem3A_290, %ne3A_291 : i32
      %lt3A_293 = arith.constant 0 : i32
      %lt3A_294 = arith.cmpi slt, %rem3A_290, %lt3A_293 : i32
      %lt3A_295 = arith.constant 0 : i32
      %lt3A_296 = arith.cmpi slt, %select_n3A_289, %lt3A_295 : i32
      %ne3A_297 = arith.xori %lt3A_294, %lt3A_296 : i1
      %and3A_298 = arith.andi %ne3A_297, %ne3A_292 : i1
      %add3A_299 = arith.addi %rem3A_290, %select_n3A_289 : i32
      %select_n3A_300 = arith.select %and3A_298, %add3A_299, %rem3A_290 : i32
      %eq3A_301 = arith.constant 3 : i32
      %eq3A_302 = arith.cmpi eq, %select_n3A_300, %eq3A_301 : i32
      %convert_element_type3A_303 = arith.extui %eq3A_302 : i1 to i32
      %cond3A_304 = arith.constant 0 : i32
      %cond3A_305 = arith.cmpi ne, %convert_element_type3A_303, %cond3A_304 : i32
      scf.if %cond3A_305 {
        %dma_wait3A_328 = arith.constant 0 : i32
        %dma_wait3A_329 = tpu.memref_slice %arg6[%scan3A_229, %dma_wait3A_328] : memref<79x128xi32, #tpu.memory_space<vmem>> -> memref<1x128xi32, #tpu.memory_space<vmem>>
        %dma_wait3A_330 = tpu.memref_squeeze %dma_wait3A_329 : memref<1x128xi32, #tpu.memory_space<vmem>> -> memref<128xi32, #tpu.memory_space<vmem>>
        %dma_wait3A_331 = arith.constant 0 : i32
        %dma_wait3A_332 = arith.constant 0 : i32
        %dma_wait3A_333 = tpu.memref_slice %arg2[%dma_wait3A_331, %dma_wait3A_332] : memref<10000x64xf32, #tpu.memory_space<hbm>> -> memref<10000x64xf32, #tpu.memory_space<hbm>>
        tpu.wait_indirect_dma semaphore(%arg18 : memref<!tpu.dma_semaphore, #tpu.memory_space<semaphore_mem>>) src(%dma_wait3A_333 : memref<10000x64xf32, #tpu.memory_space<hbm>>) dst(%arg11 : memref<128x64xf32, #tpu.memory_space<vmem>>)
        %dma_start3A_334 = arith.constant 0 : i32
        %dma_start3A_335 = tpu.memref_slice %arg7[%scan3A_229, %dma_start3A_334] : memref<79x128xi32, #tpu.memory_space<vmem>> -> memref<1x128xi32, #tpu.memory_space<vmem>>
        %dma_start3A_336 = tpu.memref_squeeze %dma_start3A_335 : memref<1x128xi32, #tpu.memory_space<vmem>> -> memref<128xi32, #tpu.memory_space<vmem>>
        %dma_start3A_337 = arith.constant 0 : i32
        %dma_start3A_338 = arith.constant 0 : i32
        %dma_start3A_339 = tpu.memref_slice %arg14[%dma_start3A_337, %dma_start3A_338] : memref<10240x64xf32, #tpu.memory_space<vmem_shared>> -> memref<10240x64xf32, #tpu.memory_space<vmem_shared>>
        tpu.enqueue_indirect_dma source(%arg11 : memref<128x64xf32, #tpu.memory_space<vmem>>) target(%dma_start3A_339 : memref<10240x64xf32, #tpu.memory_space<vmem_shared>>) offsets(%dma_start3A_336 : memref<128xi32, #tpu.memory_space<vmem>>) semaphore(%arg23 : memref<!tpu.dma_semaphore, #tpu.memory_space<semaphore_mem>>) {add = true}
        %dma_start3A_340 = arith.constant 0 : i32
        %dma_start3A_341 = tpu.memref_slice %arg7[%scan3A_229, %dma_start3A_340] : memref<79x128xi32, #tpu.memory_space<vmem>> -> memref<1x128xi32, #tpu.memory_space<vmem>>
        %dma_start3A_342 = tpu.memref_squeeze %dma_start3A_341 : memref<1x128xi32, #tpu.memory_space<vmem>> -> memref<128xi32, #tpu.memory_space<vmem>>
        %dma_start3A_343 = arith.constant 0 : i32
        %dma_start3A_344 = arith.constant 0 : i32
        %dma_start3A_345 = tpu.memref_slice %arg27[%dma_start3A_343, %dma_start3A_344] : memref<10240x16xf32, #tpu.memory_space<vmem_shared>> -> memref<10240x16xf32, #tpu.memory_space<vmem_shared>>
        tpu.enqueue_indirect_dma source(%arg25 : memref<128x16xf32, #tpu.memory_space<vmem>>) target(%dma_start3A_345 : memref<10240x16xf32, #tpu.memory_space<vmem_shared>>) offsets(%dma_start3A_342 : memref<128xi32, #tpu.memory_space<vmem>>) semaphore(%arg23 : memref<!tpu.dma_semaphore, #tpu.memory_space<semaphore_mem>>) {add = true}
        %ge3A = arith.constant 1 : i32
        %ge3A_346 = arith.cmpi sge, %scan3A_229, %ge3A : i32
        %convert_element_type3A_347 = arith.extui %ge3A_346 : i1 to i32
        %cond3A_348 = arith.constant 0 : i32
        %cond3A_349 = arith.cmpi ne, %convert_element_type3A_347, %cond3A_348 : i32
        scf.if %cond3A_349 {
          %dma_wait3A_357 = arith.constant 0 : i32
          %dma_wait3A_358 = tpu.memref_slice %arg7[%scan3A_229, %dma_wait3A_357] : memref<79x128xi32, #tpu.memory_space<vmem>> -> memref<1x128xi32, #tpu.memory_space<vmem>>
          %dma_wait3A_359 = tpu.memref_squeeze %dma_wait3A_358 : memref<1x128xi32, #tpu.memory_space<vmem>> -> memref<128xi32, #tpu.memory_space<vmem>>
          %dma_wait3A_360 = arith.constant 0 : i32
          %dma_wait3A_361 = arith.constant 0 : i32
          %dma_wait3A_362 = tpu.memref_slice %arg14[%dma_wait3A_360, %dma_wait3A_361] : memref<10240x64xf32, #tpu.memory_space<vmem_shared>> -> memref<10240x64xf32, #tpu.memory_space<vmem_shared>>
          tpu.wait_indirect_dma semaphore(%arg22 : memref<!tpu.dma_semaphore, #tpu.memory_space<semaphore_mem>>) src(%arg10 : memref<128x64xf32, #tpu.memory_space<vmem>>) dst(%dma_wait3A_362 : memref<10240x64xf32, #tpu.memory_space<vmem_shared>>)
          %dma_wait3A_363 = arith.constant 0 : i32
          %dma_wait3A_364 = tpu.memref_slice %arg7[%scan3A_229, %dma_wait3A_363] : memref<79x128xi32, #tpu.memory_space<vmem>> -> memref<1x128xi32, #tpu.memory_space<vmem>>
          %dma_wait3A_365 = tpu.memref_squeeze %dma_wait3A_364 : memref<1x128xi32, #tpu.memory_space<vmem>> -> memref<128xi32, #tpu.memory_space<vmem>>
          %dma_wait3A_366 = arith.constant 0 : i32
          %dma_wait3A_367 = arith.constant 0 : i32
          %dma_wait3A_368 = tpu.memref_slice %arg27[%dma_wait3A_366, %dma_wait3A_367] : memref<10240x16xf32, #tpu.memory_space<vmem_shared>> -> memref<10240x16xf32, #tpu.memory_space<vmem_shared>>
          tpu.wait_indirect_dma semaphore(%arg22 : memref<!tpu.dma_semaphore, #tpu.memory_space<semaphore_mem>>) src(%arg25 : memref<128x16xf32, #tpu.memory_space<vmem>>) dst(%dma_wait3A_368 : memref<10240x16xf32, #tpu.memory_space<vmem_shared>>)
        } else {
        }
        %add3A_350 = arith.constant 4 : i32
        %add3A_351 = arith.addi %scan3A_229, %add3A_350 : i32
        %lt3A_352 = arith.constant 79 : i32
        %lt3A_353 = arith.cmpi slt, %add3A_351, %lt3A_352 : i32
        %convert_element_type3A_354 = arith.extui %lt3A_353 : i1 to i32
        %cond3A_355 = arith.constant 0 : i32
        %cond3A_356 = arith.cmpi ne, %convert_element_type3A_354, %cond3A_355 : i32
        scf.if %cond3A_356 {
          %add3A_357 = arith.constant 4 : i32
          %add3A_358 = arith.addi %scan3A_229, %add3A_357 : i32
          %dma_start3A_359 = arith.constant 0 : i32
          %dma_start3A_360 = tpu.memref_slice %arg6[%add3A_358, %dma_start3A_359] : memref<79x128xi32, #tpu.memory_space<vmem>> -> memref<1x128xi32, #tpu.memory_space<vmem>>
          %dma_start3A_361 = tpu.memref_squeeze %dma_start3A_360 : memref<1x128xi32, #tpu.memory_space<vmem>> -> memref<128xi32, #tpu.memory_space<vmem>>
          %dma_start3A_362 = arith.constant 0 : i32
          %dma_start3A_363 = arith.constant 0 : i32
          %dma_start3A_364 = tpu.memref_slice %arg2[%dma_start3A_362, %dma_start3A_363] : memref<10000x64xf32, #tpu.memory_space<hbm>> -> memref<10000x64xf32, #tpu.memory_space<hbm>>
          tpu.enqueue_indirect_dma source(%dma_start3A_364 : memref<10000x64xf32, #tpu.memory_space<hbm>>) target(%arg10 : memref<128x64xf32, #tpu.memory_space<vmem>>) offsets(%dma_start3A_361 : memref<128xi32, #tpu.memory_space<vmem>>) semaphore(%arg17 : memref<!tpu.dma_semaphore, #tpu.memory_space<semaphore_mem>>)
        } else {
        }
      } else {
      }
      %jit3A_306 = arith.constant 5 : i32
      %eq3A_307 = arith.constant 0 : i32
      %eq3A_308 = arith.cmpi eq, %jit3A_306, %eq3A_307 : i32
      %jit3A_309 = arith.constant 1 : i32
      %select_n3A_310 = arith.select %eq3A_308, %jit3A_309, %jit3A_306 : i32
      %rem3A_311 = arith.remsi %scan3A_229, %select_n3A_310 : i32
      %ne3A_312 = arith.constant 0 : i32
      %ne3A_313 = arith.cmpi ne, %rem3A_311, %ne3A_312 : i32
      %lt3A_314 = arith.constant 0 : i32
      %lt3A_315 = arith.cmpi slt, %rem3A_311, %lt3A_314 : i32
      %lt3A_316 = arith.constant 0 : i32
      %lt3A_317 = arith.cmpi slt, %select_n3A_310, %lt3A_316 : i32
      %ne3A_318 = arith.xori %lt3A_315, %lt3A_317 : i1
      %and3A_319 = arith.andi %ne3A_318, %ne3A_313 : i1
      %add3A_320 = arith.addi %rem3A_311, %select_n3A_310 : i32
      %select_n3A_321 = arith.select %and3A_319, %add3A_320, %rem3A_311 : i32
      %eq3A_322 = arith.constant 4 : i32
      %eq3A_323 = arith.cmpi eq, %select_n3A_321, %eq3A_322 : i32
      %convert_element_type3A_324 = arith.extui %eq3A_323 : i1 to i32
      %cond3A_325 = arith.constant 0 : i32
      %cond3A_326 = arith.cmpi ne, %convert_element_type3A_324, %cond3A_325 : i32
      scf.if %cond3A_326 {
        %dma_wait3A_328 = arith.constant 0 : i32
        %dma_wait3A_329 = tpu.memref_slice %arg6[%scan3A_229, %dma_wait3A_328] : memref<79x128xi32, #tpu.memory_space<vmem>> -> memref<1x128xi32, #tpu.memory_space<vmem>>
        %dma_wait3A_330 = tpu.memref_squeeze %dma_wait3A_329 : memref<1x128xi32, #tpu.memory_space<vmem>> -> memref<128xi32, #tpu.memory_space<vmem>>
        %dma_wait3A_331 = arith.constant 0 : i32
        %dma_wait3A_332 = arith.constant 0 : i32
        %dma_wait3A_333 = tpu.memref_slice %arg2[%dma_wait3A_331, %dma_wait3A_332] : memref<10000x64xf32, #tpu.memory_space<hbm>> -> memref<10000x64xf32, #tpu.memory_space<hbm>>
        tpu.wait_indirect_dma semaphore(%arg19 : memref<!tpu.dma_semaphore, #tpu.memory_space<semaphore_mem>>) src(%dma_wait3A_333 : memref<10000x64xf32, #tpu.memory_space<hbm>>) dst(%arg12 : memref<128x64xf32, #tpu.memory_space<vmem>>)
        %dma_start3A_334 = arith.constant 0 : i32
        %dma_start3A_335 = tpu.memref_slice %arg7[%scan3A_229, %dma_start3A_334] : memref<79x128xi32, #tpu.memory_space<vmem>> -> memref<1x128xi32, #tpu.memory_space<vmem>>
        %dma_start3A_336 = tpu.memref_squeeze %dma_start3A_335 : memref<1x128xi32, #tpu.memory_space<vmem>> -> memref<128xi32, #tpu.memory_space<vmem>>
        %dma_start3A_337 = arith.constant 0 : i32
        %dma_start3A_338 = arith.constant 0 : i32
        %dma_start3A_339 = tpu.memref_slice %arg14[%dma_start3A_337, %dma_start3A_338] : memref<10240x64xf32, #tpu.memory_space<vmem_shared>> -> memref<10240x64xf32, #tpu.memory_space<vmem_shared>>
        tpu.enqueue_indirect_dma source(%arg12 : memref<128x64xf32, #tpu.memory_space<vmem>>) target(%dma_start3A_339 : memref<10240x64xf32, #tpu.memory_space<vmem_shared>>) offsets(%dma_start3A_336 : memref<128xi32, #tpu.memory_space<vmem>>) semaphore(%arg24 : memref<!tpu.dma_semaphore, #tpu.memory_space<semaphore_mem>>) {add = true}
        %dma_start3A_340 = arith.constant 0 : i32
        %dma_start3A_341 = tpu.memref_slice %arg7[%scan3A_229, %dma_start3A_340] : memref<79x128xi32, #tpu.memory_space<vmem>> -> memref<1x128xi32, #tpu.memory_space<vmem>>
        %dma_start3A_342 = tpu.memref_squeeze %dma_start3A_341 : memref<1x128xi32, #tpu.memory_space<vmem>> -> memref<128xi32, #tpu.memory_space<vmem>>
        %dma_start3A_343 = arith.constant 0 : i32
        %dma_start3A_344 = arith.constant 0 : i32
        %dma_start3A_345 = tpu.memref_slice %arg27[%dma_start3A_343, %dma_start3A_344] : memref<10240x16xf32, #tpu.memory_space<vmem_shared>> -> memref<10240x16xf32, #tpu.memory_space<vmem_shared>>
        tpu.enqueue_indirect_dma source(%arg25 : memref<128x16xf32, #tpu.memory_space<vmem>>) target(%dma_start3A_345 : memref<10240x16xf32, #tpu.memory_space<vmem_shared>>) offsets(%dma_start3A_342 : memref<128xi32, #tpu.memory_space<vmem>>) semaphore(%arg24 : memref<!tpu.dma_semaphore, #tpu.memory_space<semaphore_mem>>) {add = true}
        %ge3A = arith.constant 1 : i32
        %ge3A_346 = arith.cmpi sge, %scan3A_229, %ge3A : i32
        %convert_element_type3A_347 = arith.extui %ge3A_346 : i1 to i32
        %cond3A_348 = arith.constant 0 : i32
        %cond3A_349 = arith.cmpi ne, %convert_element_type3A_347, %cond3A_348 : i32
        scf.if %cond3A_349 {
          %dma_wait3A_357 = arith.constant 0 : i32
          %dma_wait3A_358 = tpu.memref_slice %arg7[%scan3A_229, %dma_wait3A_357] : memref<79x128xi32, #tpu.memory_space<vmem>> -> memref<1x128xi32, #tpu.memory_space<vmem>>
          %dma_wait3A_359 = tpu.memref_squeeze %dma_wait3A_358 : memref<1x128xi32, #tpu.memory_space<vmem>> -> memref<128xi32, #tpu.memory_space<vmem>>
          %dma_wait3A_360 = arith.constant 0 : i32
          %dma_wait3A_361 = arith.constant 0 : i32
          %dma_wait3A_362 = tpu.memref_slice %arg14[%dma_wait3A_360, %dma_wait3A_361] : memref<10240x64xf32, #tpu.memory_space<vmem_shared>> -> memref<10240x64xf32, #tpu.memory_space<vmem_shared>>
          tpu.wait_indirect_dma semaphore(%arg23 : memref<!tpu.dma_semaphore, #tpu.memory_space<semaphore_mem>>) src(%arg11 : memref<128x64xf32, #tpu.memory_space<vmem>>) dst(%dma_wait3A_362 : memref<10240x64xf32, #tpu.memory_space<vmem_shared>>)
          %dma_wait3A_363 = arith.constant 0 : i32
          %dma_wait3A_364 = tpu.memref_slice %arg7[%scan3A_229, %dma_wait3A_363] : memref<79x128xi32, #tpu.memory_space<vmem>> -> memref<1x128xi32, #tpu.memory_space<vmem>>
          %dma_wait3A_365 = tpu.memref_squeeze %dma_wait3A_364 : memref<1x128xi32, #tpu.memory_space<vmem>> -> memref<128xi32, #tpu.memory_space<vmem>>
          %dma_wait3A_366 = arith.constant 0 : i32
          %dma_wait3A_367 = arith.constant 0 : i32
          %dma_wait3A_368 = tpu.memref_slice %arg27[%dma_wait3A_366, %dma_wait3A_367] : memref<10240x16xf32, #tpu.memory_space<vmem_shared>> -> memref<10240x16xf32, #tpu.memory_space<vmem_shared>>
          tpu.wait_indirect_dma semaphore(%arg23 : memref<!tpu.dma_semaphore, #tpu.memory_space<semaphore_mem>>) src(%arg25 : memref<128x16xf32, #tpu.memory_space<vmem>>) dst(%dma_wait3A_368 : memref<10240x16xf32, #tpu.memory_space<vmem_shared>>)
        } else {
        }
        %add3A_350 = arith.constant 4 : i32
        %add3A_351 = arith.addi %scan3A_229, %add3A_350 : i32
        %lt3A_352 = arith.constant 79 : i32
        %lt3A_353 = arith.cmpi slt, %add3A_351, %lt3A_352 : i32
        %convert_element_type3A_354 = arith.extui %lt3A_353 : i1 to i32
        %cond3A_355 = arith.constant 0 : i32
        %cond3A_356 = arith.cmpi ne, %convert_element_type3A_354, %cond3A_355 : i32
        scf.if %cond3A_356 {
          %add3A_357 = arith.constant 4 : i32
          %add3A_358 = arith.addi %scan3A_229, %add3A_357 : i32
          %dma_start3A_359 = arith.constant 0 : i32
          %dma_start3A_360 = tpu.memref_slice %arg6[%add3A_358, %dma_start3A_359] : memref<79x128xi32, #tpu.memory_space<vmem>> -> memref<1x128xi32, #tpu.memory_space<vmem>>
          %dma_start3A_361 = tpu.memref_squeeze %dma_start3A_360 : memref<1x128xi32, #tpu.memory_space<vmem>> -> memref<128xi32, #tpu.memory_space<vmem>>
          %dma_start3A_362 = arith.constant 0 : i32
          %dma_start3A_363 = arith.constant 0 : i32
          %dma_start3A_364 = tpu.memref_slice %arg2[%dma_start3A_362, %dma_start3A_363] : memref<10000x64xf32, #tpu.memory_space<hbm>> -> memref<10000x64xf32, #tpu.memory_space<hbm>>
          tpu.enqueue_indirect_dma source(%dma_start3A_364 : memref<10000x64xf32, #tpu.memory_space<hbm>>) target(%arg11 : memref<128x64xf32, #tpu.memory_space<vmem>>) offsets(%dma_start3A_361 : memref<128xi32, #tpu.memory_space<vmem>>) semaphore(%arg18 : memref<!tpu.dma_semaphore, #tpu.memory_space<semaphore_mem>>)
        } else {
        }
      } else {
      }
      %scan3A_327 = arith.constant 0 : i32
      scf.yield %scan3A_327 : i32
    }
    %scan3A_194 = arith.constant 79 : i32
    %dma_wait3A_195 = arith.constant 0 : i32
    %dma_wait3A_196 = arith.constant 0 : i32
    %dma_wait3A_197 = tpu.memref_slice %arg7[%dma_wait3A_195, %dma_wait3A_196] : memref<79x128xi32, #tpu.memory_space<vmem>> -> memref<1x128xi32, #tpu.memory_space<vmem>>
    %dma_wait3A_198 = tpu.memref_squeeze %dma_wait3A_197 : memref<1x128xi32, #tpu.memory_space<vmem>> -> memref<128xi32, #tpu.memory_space<vmem>>
    %dma_wait3A_199 = arith.constant 0 : i32
    %dma_wait3A_200 = arith.constant 0 : i32
    %dma_wait3A_201 = tpu.memref_slice %arg14[%dma_wait3A_199, %dma_wait3A_200] : memref<10240x64xf32, #tpu.memory_space<vmem_shared>> -> memref<10240x64xf32, #tpu.memory_space<vmem_shared>>
    tpu.wait_indirect_dma semaphore(%arg23 : memref<!tpu.dma_semaphore, #tpu.memory_space<semaphore_mem>>) src(%arg11 : memref<128x64xf32, #tpu.memory_space<vmem>>) dst(%dma_wait3A_201 : memref<10240x64xf32, #tpu.memory_space<vmem_shared>>)
    %dma_wait3A_202 = arith.constant 0 : i32
    %dma_wait3A_203 = arith.constant 0 : i32
    %dma_wait3A_204 = tpu.memref_slice %arg7[%dma_wait3A_202, %dma_wait3A_203] : memref<79x128xi32, #tpu.memory_space<vmem>> -> memref<1x128xi32, #tpu.memory_space<vmem>>
    %dma_wait3A_205 = tpu.memref_squeeze %dma_wait3A_204 : memref<1x128xi32, #tpu.memory_space<vmem>> -> memref<128xi32, #tpu.memory_space<vmem>>
    %dma_wait3A_206 = arith.constant 0 : i32
    %dma_wait3A_207 = arith.constant 0 : i32
    %dma_wait3A_208 = tpu.memref_slice %arg27[%dma_wait3A_206, %dma_wait3A_207] : memref<10240x16xf32, #tpu.memory_space<vmem_shared>> -> memref<10240x16xf32, #tpu.memory_space<vmem_shared>>
    tpu.wait_indirect_dma semaphore(%arg23 : memref<!tpu.dma_semaphore, #tpu.memory_space<semaphore_mem>>) src(%arg25 : memref<128x16xf32, #tpu.memory_space<vmem>>) dst(%dma_wait3A_208 : memref<10240x16xf32, #tpu.memory_space<vmem_shared>>)
    %barrier3A_209 = arith.constant 0 : index
    tpu.barrier barrier_id(%barrier3A_209)
    %mul3A_210 = arith.constant 10240 : i32
    %mul3A_211 = arith.muli %arg0, %mul3A_210 : i32
    %add3A_212 = arith.addi %mul3A_211, %mul3A_2 : i32
    %dma_start3A_213 = arith.constant 0 : i32
    %dma_start3A_214 = tpu.memref_slice %arg4[%add3A_212, %dma_start3A_213] : memref<20480x64xf32, #tpu.memory_space<hbm>> -> memref<640x64xf32, #tpu.memory_space<hbm>>
    %dma_start3A_215 = arith.constant 0 : i32
    %dma_start3A_216 = tpu.memref_slice %arg14[%mul3A_2, %dma_start3A_215] : memref<10240x64xf32, #tpu.memory_space<vmem_shared>> -> memref<640x64xf32, #tpu.memory_space<vmem_shared>>
    tpu.enqueue_dma source(%dma_start3A_216 : memref<640x64xf32, #tpu.memory_space<vmem_shared>>) target(%dma_start3A_214 : memref<640x64xf32, #tpu.memory_space<hbm>>) target_semaphore(%arg15 : memref<!tpu.dma_semaphore, #tpu.memory_space<semaphore_mem>>)
    %dma_start3A_217 = arith.constant 0 : i32
    %dma_start3A_218 = tpu.memref_slice %arg5[%add3A_212, %dma_start3A_217] : memref<20480x16xf32, #tpu.memory_space<hbm>> -> memref<640x16xf32, #tpu.memory_space<hbm>>
    %dma_start3A_219 = arith.constant 0 : i32
    %dma_start3A_220 = tpu.memref_slice %arg27[%mul3A_2, %dma_start3A_219] : memref<10240x16xf32, #tpu.memory_space<vmem_shared>> -> memref<640x16xf32, #tpu.memory_space<vmem_shared>>
    tpu.enqueue_dma source(%dma_start3A_220 : memref<640x16xf32, #tpu.memory_space<vmem_shared>>) target(%dma_start3A_218 : memref<640x16xf32, #tpu.memory_space<hbm>>) target_semaphore(%arg16 : memref<!tpu.dma_semaphore, #tpu.memory_space<semaphore_mem>>)
    %dma_wait3A_221 = arith.constant 0 : i32
    %dma_wait3A_222 = tpu.memref_slice %arg5[%add3A_212, %dma_wait3A_221] : memref<20480x16xf32, #tpu.memory_space<hbm>> -> memref<640x16xf32, #tpu.memory_space<hbm>>
    %dma_wait3A_223 = arith.constant 0 : i32
    %dma_wait3A_224 = tpu.memref_slice %arg27[%mul3A_2, %dma_wait3A_223] : memref<10240x16xf32, #tpu.memory_space<vmem_shared>> -> memref<640x16xf32, #tpu.memory_space<vmem_shared>>
    tpu.wait_dma2 semaphore(%arg16 : memref<!tpu.dma_semaphore, #tpu.memory_space<semaphore_mem>>) src(%dma_wait3A_224 : memref<640x16xf32, #tpu.memory_space<vmem_shared>>) dst(%dma_wait3A_222 : memref<640x16xf32, #tpu.memory_space<hbm>>)
    %dma_wait3A_225 = arith.constant 0 : i32
    %dma_wait3A_226 = tpu.memref_slice %arg4[%add3A_212, %dma_wait3A_225] : memref<20480x64xf32, #tpu.memory_space<hbm>> -> memref<640x64xf32, #tpu.memory_space<hbm>>
    %dma_wait3A_227 = arith.constant 0 : i32
    %dma_wait3A_228 = tpu.memref_slice %arg14[%mul3A_2, %dma_wait3A_227] : memref<10240x64xf32, #tpu.memory_space<vmem_shared>> -> memref<640x64xf32, #tpu.memory_space<vmem_shared>>
    tpu.wait_dma2 semaphore(%arg15 : memref<!tpu.dma_semaphore, #tpu.memory_space<semaphore_mem>>) src(%dma_wait3A_228 : memref<640x64xf32, #tpu.memory_space<vmem_shared>>) dst(%dma_wait3A_226 : memref<640x64xf32, #tpu.memory_space<hbm>>)
    return
  }
}

#map = affine_map<(d0, d1) -> (0, 0)>
#map1 = affine_map<(d0, d1) -> (0, 0, 0)>
module attributes {stable_mosaic.version = 14 : i64} {
  func.func @seg(%arg0: i32, %arg1: i32, %arg2: memref<10000x64xf32, #tpu.memory_space<hbm>>, %arg3: memref<64x79x128xi32, #tpu.memory_space<hbm>>, %arg4: memref<20480x64xf32, #tpu.memory_space<hbm>>, %arg5: memref<79x128xi32, #tpu.memory_space<vmem>>, %arg6: memref<79x128xi32, #tpu.memory_space<vmem>>, %arg7: memref<128x64xf32, #tpu.memory_space<vmem>>, %arg8: memref<128x64xf32, #tpu.memory_space<vmem>>, %arg9: memref<128x64xf32, #tpu.memory_space<vmem>>, %arg10: memref<128x64xf32, #tpu.memory_space<vmem>>, %arg11: memref<128x64xf32, #tpu.memory_space<vmem>>, %arg12: memref<128x64xf32, #tpu.memory_space<vmem>>, %arg13: memref<10240x64xf32, #tpu.memory_space<vmem_shared>>, %arg14: memref<!tpu.dma_semaphore, #tpu.memory_space<semaphore_mem>>, %arg15: memref<!tpu.dma_semaphore, #tpu.memory_space<semaphore_mem>>, %arg16: memref<!tpu.dma_semaphore, #tpu.memory_space<semaphore_mem>>, %arg17: memref<!tpu.dma_semaphore, #tpu.memory_space<semaphore_mem>>, %arg18: memref<!tpu.dma_semaphore, #tpu.memory_space<semaphore_mem>>, %arg19: memref<!tpu.dma_semaphore, #tpu.memory_space<semaphore_mem>>, %arg20: memref<!tpu.dma_semaphore, #tpu.memory_space<semaphore_mem>>, %arg21: memref<!tpu.dma_semaphore, #tpu.memory_space<semaphore_mem>>, %arg22: memref<!tpu.dma_semaphore, #tpu.memory_space<semaphore_mem>>, %arg23: memref<!tpu.dma_semaphore, #tpu.memory_space<semaphore_mem>>) attributes {dimension_semantics = [#tpu.dimension_semantics<core_parallel>, #tpu.dimension_semantics<subcore_parallel>], iteration_bounds = array<i64: 2, 16>, scalar_prefetch = 0 : i64, scratch_operands = 19 : i64, tpu.core_type = #tpu.core_type<sc_vector_subcore>, window_params = [{transform_indices = #map}, {transform_indices = #map1}, {transform_indices = #map}]} {
    %mul3A = arith.constant 16 : i32
    %mul3A_0 = arith.muli %arg0, %mul3A : i32
    %add3A = arith.addi %mul3A_0, %arg1 : i32
    %mul3A_1 = arith.constant 640 : i32
    %mul3A_2 = arith.muli %arg1, %mul3A_1 : i32
    %broadcast_in_dim3A = arith.constant 0.000000e+00 : f32
    %broadcast_in_dim3A_3 = vector.broadcast %broadcast_in_dim3A : f32 to vector<16xf32>
    %dma_start3A = arith.constant 0 : i32
    %dma_start3A_4 = arith.constant 0 : i32
    %dma_start3A_5 = tpu.memref_slice %arg3[%add3A, %dma_start3A, %dma_start3A_4] : memref<64x79x128xi32, #tpu.memory_space<hbm>> -> memref<1x79x128xi32, #tpu.memory_space<hbm>>
    %dma_start3A_6 = tpu.memref_squeeze %dma_start3A_5 : memref<1x79x128xi32, #tpu.memory_space<hbm>> -> memref<79x128xi32, #tpu.memory_space<hbm>>
    %dma_start3A_7 = arith.constant 0 : i32
    %dma_start3A_8 = arith.constant 0 : i32
    %dma_start3A_9 = tpu.memref_slice %arg3[%add3A, %dma_start3A_7, %dma_start3A_8] : memref<64x79x128xi32, #tpu.memory_space<hbm>> -> memref<1x79x128xi32, #tpu.memory_space<hbm>>
    %dma_start3A_10 = tpu.memref_squeeze %dma_start3A_9 : memref<1x79x128xi32, #tpu.memory_space<hbm>> -> memref<79x128xi32, #tpu.memory_space<hbm>>
    tpu.enqueue_dma source(%dma_start3A_10 : memref<79x128xi32, #tpu.memory_space<hbm>>) target(%arg5 : memref<79x128xi32, #tpu.memory_space<vmem>>) target_semaphore(%arg14 : memref<!tpu.dma_semaphore, #tpu.memory_space<semaphore_mem>>)
    %add3A_11 = arith.constant 32 : i32
    %add3A_12 = arith.addi %add3A_11, %add3A : i32
    %dma_start3A_13 = arith.constant 0 : i32
    %dma_start3A_14 = arith.constant 0 : i32
    %dma_start3A_15 = tpu.memref_slice %arg3[%add3A_12, %dma_start3A_13, %dma_start3A_14] : memref<64x79x128xi32, #tpu.memory_space<hbm>> -> memref<1x79x128xi32, #tpu.memory_space<hbm>>
    %dma_start3A_16 = tpu.memref_squeeze %dma_start3A_15 : memref<1x79x128xi32, #tpu.memory_space<hbm>> -> memref<79x128xi32, #tpu.memory_space<hbm>>
    %dma_start3A_17 = arith.constant 0 : i32
    %dma_start3A_18 = arith.constant 0 : i32
    %dma_start3A_19 = tpu.memref_slice %arg3[%add3A_12, %dma_start3A_17, %dma_start3A_18] : memref<64x79x128xi32, #tpu.memory_space<hbm>> -> memref<1x79x128xi32, #tpu.memory_space<hbm>>
    %dma_start3A_20 = tpu.memref_squeeze %dma_start3A_19 : memref<1x79x128xi32, #tpu.memory_space<hbm>> -> memref<79x128xi32, #tpu.memory_space<hbm>>
    tpu.enqueue_dma source(%dma_start3A_20 : memref<79x128xi32, #tpu.memory_space<hbm>>) target(%arg6 : memref<79x128xi32, #tpu.memory_space<vmem>>) target_semaphore(%arg15 : memref<!tpu.dma_semaphore, #tpu.memory_space<semaphore_mem>>)
    %scan3A = arith.constant 0 : i32
    %scan3A_21 = arith.constant 0 : i32
    %scan3A_22 = arith.constant 128 : i32
    %scan3A_23 = arith.addi %scan3A_21, %scan3A_22 : i32
    %scan3A_24 = arith.constant 1 : i32
    %scan3A_25 = scf.for %scan3A_148 = %scan3A_21 to %scan3A_23 step %scan3A_24 iter_args(%scan3A_149 = %scan3A) -> (i32)  : i32 {
      %swap3A = arith.index_cast %scan3A_148 : i32 to index
      %swap3A_150 = arith.constant 0 : index
      %swap3A_151 = tpu.vector_load %arg12[%swap3A, %swap3A_150] {strides = array<i32>} : memref<128x64xf32, #tpu.memory_space<vmem>>, vector<1x16xf32>,
      %swap3A_152 = vector.shape_cast %swap3A_151 : vector<1x16xf32> to vector<16xf32>
      %swap3A_153 = vector.shape_cast %broadcast_in_dim3A_3 : vector<16xf32> to vector<1x16xf32>
      tpu.vector_store %arg12[%swap3A, %swap3A_150], %swap3A_153 {strides = array<i32>} : memref<128x64xf32, #tpu.memory_space<vmem>>, vector<1x16xf32>,
      %swap3A_154 = arith.index_cast %scan3A_148 : i32 to index
      %swap3A_155 = arith.constant 16 : index
      %swap3A_156 = tpu.vector_load %arg12[%swap3A_154, %swap3A_155] {strides = array<i32>} : memref<128x64xf32, #tpu.memory_space<vmem>>, vector<1x16xf32>,
      %swap3A_157 = vector.shape_cast %swap3A_156 : vector<1x16xf32> to vector<16xf32>
      %swap3A_158 = vector.shape_cast %broadcast_in_dim3A_3 : vector<16xf32> to vector<1x16xf32>
      tpu.vector_store %arg12[%swap3A_154, %swap3A_155], %swap3A_158 {strides = array<i32>} : memref<128x64xf32, #tpu.memory_space<vmem>>, vector<1x16xf32>,
      %swap3A_159 = arith.index_cast %scan3A_148 : i32 to index
      %swap3A_160 = arith.constant 32 : index
      %swap3A_161 = tpu.vector_load %arg12[%swap3A_159, %swap3A_160] {strides = array<i32>} : memref<128x64xf32, #tpu.memory_space<vmem>>, vector<1x16xf32>,
      %swap3A_162 = vector.shape_cast %swap3A_161 : vector<1x16xf32> to vector<16xf32>
      %swap3A_163 = vector.shape_cast %broadcast_in_dim3A_3 : vector<16xf32> to vector<1x16xf32>
      tpu.vector_store %arg12[%swap3A_159, %swap3A_160], %swap3A_163 {strides = array<i32>} : memref<128x64xf32, #tpu.memory_space<vmem>>, vector<1x16xf32>,
      %swap3A_164 = arith.index_cast %scan3A_148 : i32 to index
      %swap3A_165 = arith.constant 48 : index
      %swap3A_166 = tpu.vector_load %arg12[%swap3A_164, %swap3A_165] {strides = array<i32>} : memref<128x64xf32, #tpu.memory_space<vmem>>, vector<1x16xf32>,
      %swap3A_167 = vector.shape_cast %swap3A_166 : vector<1x16xf32> to vector<16xf32>
      %swap3A_168 = vector.shape_cast %broadcast_in_dim3A_3 : vector<16xf32> to vector<1x16xf32>
      tpu.vector_store %arg12[%swap3A_164, %swap3A_165], %swap3A_168 {strides = array<i32>} : memref<128x64xf32, #tpu.memory_space<vmem>>, vector<1x16xf32>,
      %scan3A_169 = arith.constant 0 : i32
      scf.yield %scan3A_169 : i32
    }
    %scan3A_26 = arith.constant 128 : i32
    %add3A_27 = arith.constant 0 : i32
    %add3A_28 = arith.addi %mul3A_2, %add3A_27 : i32
    %dma_start3A_29 = arith.constant 0 : i32
    %dma_start3A_30 = tpu.memref_slice %arg13[%add3A_28, %dma_start3A_29] : memref<10240x64xf32, #tpu.memory_space<vmem_shared>> -> memref<128x64xf32, #tpu.memory_space<vmem_shared>>
    %dma_start3A_31 = arith.constant 0 : i32
    %dma_start3A_32 = tpu.memref_slice %arg13[%add3A_28, %dma_start3A_31] : memref<10240x64xf32, #tpu.memory_space<vmem_shared>> -> memref<128x64xf32, #tpu.memory_space<vmem_shared>>
    tpu.enqueue_dma source(%arg12 : memref<128x64xf32, #tpu.memory_space<vmem>>) target(%dma_start3A_32 : memref<128x64xf32, #tpu.memory_space<vmem_shared>>) target_semaphore(%arg19 : memref<!tpu.dma_semaphore, #tpu.memory_space<semaphore_mem>>)
    %add3A_33 = arith.constant 128 : i32
    %add3A_34 = arith.addi %mul3A_2, %add3A_33 : i32
    %dma_start3A_35 = arith.constant 0 : i32
    %dma_start3A_36 = tpu.memref_slice %arg13[%add3A_34, %dma_start3A_35] : memref<10240x64xf32, #tpu.memory_space<vmem_shared>> -> memref<128x64xf32, #tpu.memory_space<vmem_shared>>
    %dma_start3A_37 = arith.constant 0 : i32
    %dma_start3A_38 = tpu.memref_slice %arg13[%add3A_34, %dma_start3A_37] : memref<10240x64xf32, #tpu.memory_space<vmem_shared>> -> memref<128x64xf32, #tpu.memory_space<vmem_shared>>
    tpu.enqueue_dma source(%arg12 : memref<128x64xf32, #tpu.memory_space<vmem>>) target(%dma_start3A_38 : memref<128x64xf32, #tpu.memory_space<vmem_shared>>) target_semaphore(%arg19 : memref<!tpu.dma_semaphore, #tpu.memory_space<semaphore_mem>>)
    %add3A_39 = arith.constant 256 : i32
    %add3A_40 = arith.addi %mul3A_2, %add3A_39 : i32
    %dma_start3A_41 = arith.constant 0 : i32
    %dma_start3A_42 = tpu.memref_slice %arg13[%add3A_40, %dma_start3A_41] : memref<10240x64xf32, #tpu.memory_space<vmem_shared>> -> memref<128x64xf32, #tpu.memory_space<vmem_shared>>
    %dma_start3A_43 = arith.constant 0 : i32
    %dma_start3A_44 = tpu.memref_slice %arg13[%add3A_40, %dma_start3A_43] : memref<10240x64xf32, #tpu.memory_space<vmem_shared>> -> memref<128x64xf32, #tpu.memory_space<vmem_shared>>
    tpu.enqueue_dma source(%arg12 : memref<128x64xf32, #tpu.memory_space<vmem>>) target(%dma_start3A_44 : memref<128x64xf32, #tpu.memory_space<vmem_shared>>) target_semaphore(%arg19 : memref<!tpu.dma_semaphore, #tpu.memory_space<semaphore_mem>>)
    %add3A_45 = arith.constant 384 : i32
    %add3A_46 = arith.addi %mul3A_2, %add3A_45 : i32
    %dma_start3A_47 = arith.constant 0 : i32
    %dma_start3A_48 = tpu.memref_slice %arg13[%add3A_46, %dma_start3A_47] : memref<10240x64xf32, #tpu.memory_space<vmem_shared>> -> memref<128x64xf32, #tpu.memory_space<vmem_shared>>
    %dma_start3A_49 = arith.constant 0 : i32
    %dma_start3A_50 = tpu.memref_slice %arg13[%add3A_46, %dma_start3A_49] : memref<10240x64xf32, #tpu.memory_space<vmem_shared>> -> memref<128x64xf32, #tpu.memory_space<vmem_shared>>
    tpu.enqueue_dma source(%arg12 : memref<128x64xf32, #tpu.memory_space<vmem>>) target(%dma_start3A_50 : memref<128x64xf32, #tpu.memory_space<vmem_shared>>) target_semaphore(%arg19 : memref<!tpu.dma_semaphore, #tpu.memory_space<semaphore_mem>>)
    %add3A_51 = arith.constant 512 : i32
    %add3A_52 = arith.addi %mul3A_2, %add3A_51 : i32
    %dma_start3A_53 = arith.constant 0 : i32
    %dma_start3A_54 = tpu.memref_slice %arg13[%add3A_52, %dma_start3A_53] : memref<10240x64xf32, #tpu.memory_space<vmem_shared>> -> memref<128x64xf32, #tpu.memory_space<vmem_shared>>
    %dma_start3A_55 = arith.constant 0 : i32
    %dma_start3A_56 = tpu.memref_slice %arg13[%add3A_52, %dma_start3A_55] : memref<10240x64xf32, #tpu.memory_space<vmem_shared>> -> memref<128x64xf32, #tpu.memory_space<vmem_shared>>
    tpu.enqueue_dma source(%arg12 : memref<128x64xf32, #tpu.memory_space<vmem>>) target(%dma_start3A_56 : memref<128x64xf32, #tpu.memory_space<vmem_shared>>) target_semaphore(%arg19 : memref<!tpu.dma_semaphore, #tpu.memory_space<semaphore_mem>>)
    %dma_wait3A = arith.constant 0 : i32
    %dma_wait3A_57 = tpu.memref_slice %arg13[%mul3A_2, %dma_wait3A] : memref<10240x64xf32, #tpu.memory_space<vmem_shared>> -> memref<128x64xf32, #tpu.memory_space<vmem_shared>>
    %dma_wait3A_58 = arith.constant 0 : i32
    %dma_wait3A_59 = tpu.memref_slice %arg13[%mul3A_2, %dma_wait3A_58] : memref<10240x64xf32, #tpu.memory_space<vmem_shared>> -> memref<128x64xf32, #tpu.memory_space<vmem_shared>>
    tpu.wait_dma2 semaphore(%arg19 : memref<!tpu.dma_semaphore, #tpu.memory_space<semaphore_mem>>) src(%arg12 : memref<128x64xf32, #tpu.memory_space<vmem>>) dst(%dma_wait3A_59 : memref<128x64xf32, #tpu.memory_space<vmem_shared>>)
    %dma_wait3A_60 = arith.constant 0 : i32
    %dma_wait3A_61 = tpu.memref_slice %arg13[%mul3A_2, %dma_wait3A_60] : memref<10240x64xf32, #tpu.memory_space<vmem_shared>> -> memref<128x64xf32, #tpu.memory_space<vmem_shared>>
    %dma_wait3A_62 = arith.constant 0 : i32
    %dma_wait3A_63 = tpu.memref_slice %arg13[%mul3A_2, %dma_wait3A_62] : memref<10240x64xf32, #tpu.memory_space<vmem_shared>> -> memref<128x64xf32, #tpu.memory_space<vmem_shared>>
    tpu.wait_dma2 semaphore(%arg19 : memref<!tpu.dma_semaphore, #tpu.memory_space<semaphore_mem>>) src(%arg12 : memref<128x64xf32, #tpu.memory_space<vmem>>) dst(%dma_wait3A_63 : memref<128x64xf32, #tpu.memory_space<vmem_shared>>)
    %dma_wait3A_64 = arith.constant 0 : i32
    %dma_wait3A_65 = tpu.memref_slice %arg13[%mul3A_2, %dma_wait3A_64] : memref<10240x64xf32, #tpu.memory_space<vmem_shared>> -> memref<128x64xf32, #tpu.memory_space<vmem_shared>>
    %dma_wait3A_66 = arith.constant 0 : i32
    %dma_wait3A_67 = tpu.memref_slice %arg13[%mul3A_2, %dma_wait3A_66] : memref<10240x64xf32, #tpu.memory_space<vmem_shared>> -> memref<128x64xf32, #tpu.memory_space<vmem_shared>>
    tpu.wait_dma2 semaphore(%arg19 : memref<!tpu.dma_semaphore, #tpu.memory_space<semaphore_mem>>) src(%arg12 : memref<128x64xf32, #tpu.memory_space<vmem>>) dst(%dma_wait3A_67 : memref<128x64xf32, #tpu.memory_space<vmem_shared>>)
    %dma_wait3A_68 = arith.constant 0 : i32
    %dma_wait3A_69 = tpu.memref_slice %arg13[%mul3A_2, %dma_wait3A_68] : memref<10240x64xf32, #tpu.memory_space<vmem_shared>> -> memref<128x64xf32, #tpu.memory_space<vmem_shared>>
    %dma_wait3A_70 = arith.constant 0 : i32
    %dma_wait3A_71 = tpu.memref_slice %arg13[%mul3A_2, %dma_wait3A_70] : memref<10240x64xf32, #tpu.memory_space<vmem_shared>> -> memref<128x64xf32, #tpu.memory_space<vmem_shared>>
    tpu.wait_dma2 semaphore(%arg19 : memref<!tpu.dma_semaphore, #tpu.memory_space<semaphore_mem>>) src(%arg12 : memref<128x64xf32, #tpu.memory_space<vmem>>) dst(%dma_wait3A_71 : memref<128x64xf32, #tpu.memory_space<vmem_shared>>)
    %dma_wait3A_72 = arith.constant 0 : i32
    %dma_wait3A_73 = tpu.memref_slice %arg13[%mul3A_2, %dma_wait3A_72] : memref<10240x64xf32, #tpu.memory_space<vmem_shared>> -> memref<128x64xf32, #tpu.memory_space<vmem_shared>>
    %dma_wait3A_74 = arith.constant 0 : i32
    %dma_wait3A_75 = tpu.memref_slice %arg13[%mul3A_2, %dma_wait3A_74] : memref<10240x64xf32, #tpu.memory_space<vmem_shared>> -> memref<128x64xf32, #tpu.memory_space<vmem_shared>>
    tpu.wait_dma2 semaphore(%arg19 : memref<!tpu.dma_semaphore, #tpu.memory_space<semaphore_mem>>) src(%arg12 : memref<128x64xf32, #tpu.memory_space<vmem>>) dst(%dma_wait3A_75 : memref<128x64xf32, #tpu.memory_space<vmem_shared>>)
    %dma_wait3A_76 = arith.constant 0 : i32
    %dma_wait3A_77 = arith.constant 0 : i32
    %dma_wait3A_78 = tpu.memref_slice %arg3[%add3A, %dma_wait3A_76, %dma_wait3A_77] : memref<64x79x128xi32, #tpu.memory_space<hbm>> -> memref<1x79x128xi32, #tpu.memory_space<hbm>>
    %dma_wait3A_79 = tpu.memref_squeeze %dma_wait3A_78 : memref<1x79x128xi32, #tpu.memory_space<hbm>> -> memref<79x128xi32, #tpu.memory_space<hbm>>
    %dma_wait3A_80 = arith.constant 0 : i32
    %dma_wait3A_81 = arith.constant 0 : i32
    %dma_wait3A_82 = tpu.memref_slice %arg3[%add3A, %dma_wait3A_80, %dma_wait3A_81] : memref<64x79x128xi32, #tpu.memory_space<hbm>> -> memref<1x79x128xi32, #tpu.memory_space<hbm>>
    %dma_wait3A_83 = tpu.memref_squeeze %dma_wait3A_82 : memref<1x79x128xi32, #tpu.memory_space<hbm>> -> memref<79x128xi32, #tpu.memory_space<hbm>>
    tpu.wait_dma2 semaphore(%arg14 : memref<!tpu.dma_semaphore, #tpu.memory_space<semaphore_mem>>) src(%dma_wait3A_83 : memref<79x128xi32, #tpu.memory_space<hbm>>) dst(%arg5 : memref<79x128xi32, #tpu.memory_space<vmem>>)
    %add3A_84 = arith.constant 32 : i32
    %add3A_85 = arith.addi %add3A_84, %add3A : i32
    %dma_wait3A_86 = arith.constant 0 : i32
    %dma_wait3A_87 = arith.constant 0 : i32
    %dma_wait3A_88 = tpu.memref_slice %arg3[%add3A_85, %dma_wait3A_86, %dma_wait3A_87] : memref<64x79x128xi32, #tpu.memory_space<hbm>> -> memref<1x79x128xi32, #tpu.memory_space<hbm>>
    %dma_wait3A_89 = tpu.memref_squeeze %dma_wait3A_88 : memref<1x79x128xi32, #tpu.memory_space<hbm>> -> memref<79x128xi32, #tpu.memory_space<hbm>>
    %dma_wait3A_90 = arith.constant 0 : i32
    %dma_wait3A_91 = arith.constant 0 : i32
    %dma_wait3A_92 = tpu.memref_slice %arg3[%add3A_85, %dma_wait3A_90, %dma_wait3A_91] : memref<64x79x128xi32, #tpu.memory_space<hbm>> -> memref<1x79x128xi32, #tpu.memory_space<hbm>>
    %dma_wait3A_93 = tpu.memref_squeeze %dma_wait3A_92 : memref<1x79x128xi32, #tpu.memory_space<hbm>> -> memref<79x128xi32, #tpu.memory_space<hbm>>
    tpu.wait_dma2 semaphore(%arg15 : memref<!tpu.dma_semaphore, #tpu.memory_space<semaphore_mem>>) src(%dma_wait3A_93 : memref<79x128xi32, #tpu.memory_space<hbm>>) dst(%arg6 : memref<79x128xi32, #tpu.memory_space<vmem>>)
    %barrier3A = arith.constant 0 : index
    tpu.barrier barrier_id(%barrier3A)
    %dma_start3A_94 = arith.constant 0 : i32
    %dma_start3A_95 = arith.constant 0 : i32
    %dma_start3A_96 = tpu.memref_slice %arg5[%dma_start3A_94, %dma_start3A_95] : memref<79x128xi32, #tpu.memory_space<vmem>> -> memref<1x128xi32, #tpu.memory_space<vmem>>
    %dma_start3A_97 = tpu.memref_squeeze %dma_start3A_96 : memref<1x128xi32, #tpu.memory_space<vmem>> -> memref<128xi32, #tpu.memory_space<vmem>>
    %dma_start3A_98 = arith.constant 0 : i32
    %dma_start3A_99 = arith.constant 0 : i32
    %dma_start3A_100 = tpu.memref_slice %arg2[%dma_start3A_98, %dma_start3A_99] : memref<10000x64xf32, #tpu.memory_space<hbm>> -> memref<10000x64xf32, #tpu.memory_space<hbm>>
    tpu.enqueue_indirect_dma source(%dma_start3A_100 : memref<10000x64xf32, #tpu.memory_space<hbm>>) target(%arg7 : memref<128x64xf32, #tpu.memory_space<vmem>>) offsets(%dma_start3A_97 : memref<128xi32, #tpu.memory_space<vmem>>) semaphore(%arg14 : memref<!tpu.dma_semaphore, #tpu.memory_space<semaphore_mem>>)
    %dma_start3A_101 = arith.constant 1 : i32
    %dma_start3A_102 = arith.constant 0 : i32
    %dma_start3A_103 = tpu.memref_slice %arg5[%dma_start3A_101, %dma_start3A_102] : memref<79x128xi32, #tpu.memory_space<vmem>> -> memref<1x128xi32, #tpu.memory_space<vmem>>
    %dma_start3A_104 = tpu.memref_squeeze %dma_start3A_103 : memref<1x128xi32, #tpu.memory_space<vmem>> -> memref<128xi32, #tpu.memory_space<vmem>>
    %dma_start3A_105 = arith.constant 0 : i32
    %dma_start3A_106 = arith.constant 0 : i32
    %dma_start3A_107 = tpu.memref_slice %arg2[%dma_start3A_105, %dma_start3A_106] : memref<10000x64xf32, #tpu.memory_space<hbm>> -> memref<10000x64xf32, #tpu.memory_space<hbm>>
    tpu.enqueue_indirect_dma source(%dma_start3A_107 : memref<10000x64xf32, #tpu.memory_space<hbm>>) target(%arg8 : memref<128x64xf32, #tpu.memory_space<vmem>>) offsets(%dma_start3A_104 : memref<128xi32, #tpu.memory_space<vmem>>) semaphore(%arg15 : memref<!tpu.dma_semaphore, #tpu.memory_space<semaphore_mem>>)
    %dma_start3A_108 = arith.constant 2 : i32
    %dma_start3A_109 = arith.constant 0 : i32
    %dma_start3A_110 = tpu.memref_slice %arg5[%dma_start3A_108, %dma_start3A_109] : memref<79x128xi32, #tpu.memory_space<vmem>> -> memref<1x128xi32, #tpu.memory_space<vmem>>
    %dma_start3A_111 = tpu.memref_squeeze %dma_start3A_110 : memref<1x128xi32, #tpu.memory_space<vmem>> -> memref<128xi32, #tpu.memory_space<vmem>>
    %dma_start3A_112 = arith.constant 0 : i32
    %dma_start3A_113 = arith.constant 0 : i32
    %dma_start3A_114 = tpu.memref_slice %arg2[%dma_start3A_112, %dma_start3A_113] : memref<10000x64xf32, #tpu.memory_space<hbm>> -> memref<10000x64xf32, #tpu.memory_space<hbm>>
    tpu.enqueue_indirect_dma source(%dma_start3A_114 : memref<10000x64xf32, #tpu.memory_space<hbm>>) target(%arg9 : memref<128x64xf32, #tpu.memory_space<vmem>>) offsets(%dma_start3A_111 : memref<128xi32, #tpu.memory_space<vmem>>) semaphore(%arg16 : memref<!tpu.dma_semaphore, #tpu.memory_space<semaphore_mem>>)
    %dma_start3A_115 = arith.constant 3 : i32
    %dma_start3A_116 = arith.constant 0 : i32
    %dma_start3A_117 = tpu.memref_slice %arg5[%dma_start3A_115, %dma_start3A_116] : memref<79x128xi32, #tpu.memory_space<vmem>> -> memref<1x128xi32, #tpu.memory_space<vmem>>
    %dma_start3A_118 = tpu.memref_squeeze %dma_start3A_117 : memref<1x128xi32, #tpu.memory_space<vmem>> -> memref<128xi32, #tpu.memory_space<vmem>>
    %dma_start3A_119 = arith.constant 0 : i32
    %dma_start3A_120 = arith.constant 0 : i32
    %dma_start3A_121 = tpu.memref_slice %arg2[%dma_start3A_119, %dma_start3A_120] : memref<10000x64xf32, #tpu.memory_space<hbm>> -> memref<10000x64xf32, #tpu.memory_space<hbm>>
    tpu.enqueue_indirect_dma source(%dma_start3A_121 : memref<10000x64xf32, #tpu.memory_space<hbm>>) target(%arg10 : memref<128x64xf32, #tpu.memory_space<vmem>>) offsets(%dma_start3A_118 : memref<128xi32, #tpu.memory_space<vmem>>) semaphore(%arg17 : memref<!tpu.dma_semaphore, #tpu.memory_space<semaphore_mem>>)
    %scan3A_122 = arith.constant 0 : i32
    %scan3A_123 = arith.constant 0 : i32
    %scan3A_124 = arith.constant 79 : i32
    %scan3A_125 = arith.addi %scan3A_123, %scan3A_124 : i32
    %scan3A_126 = arith.constant 1 : i32
    %scan3A_127 = scf.for %scan3A_148 = %scan3A_123 to %scan3A_125 step %scan3A_126 iter_args(%scan3A_149 = %scan3A_122) -> (i32)  : i32 {
      %jit3A = arith.constant 5 : i32
      %eq3A = arith.constant 0 : i32
      %eq3A_150 = arith.cmpi eq, %jit3A, %eq3A : i32
      %jit3A_151 = arith.constant 1 : i32
      %select_n3A = arith.select %eq3A_150, %jit3A_151, %jit3A : i32
      %rem3A = arith.remsi %scan3A_148, %select_n3A : i32
      %ne3A = arith.constant 0 : i32
      %ne3A_152 = arith.cmpi ne, %rem3A, %ne3A : i32
      %lt3A = arith.constant 0 : i32
      %lt3A_153 = arith.cmpi slt, %rem3A, %lt3A : i32
      %lt3A_154 = arith.constant 0 : i32
      %lt3A_155 = arith.cmpi slt, %select_n3A, %lt3A_154 : i32
      %ne3A_156 = arith.xori %lt3A_153, %lt3A_155 : i1
      %and3A = arith.andi %ne3A_156, %ne3A_152 : i1
      %add3A_157 = arith.addi %rem3A, %select_n3A : i32
      %select_n3A_158 = arith.select %and3A, %add3A_157, %rem3A : i32
      %eq3A_159 = arith.constant 0 : i32
      %eq3A_160 = arith.cmpi eq, %select_n3A_158, %eq3A_159 : i32
      %convert_element_type3A = arith.extui %eq3A_160 : i1 to i32
      %cond3A = arith.constant 0 : i32
      %cond3A_161 = arith.cmpi ne, %convert_element_type3A, %cond3A : i32
      scf.if %cond3A_161 {
        %dma_wait3A_247 = arith.constant 0 : i32
        %dma_wait3A_248 = tpu.memref_slice %arg5[%scan3A_148, %dma_wait3A_247] : memref<79x128xi32, #tpu.memory_space<vmem>> -> memref<1x128xi32, #tpu.memory_space<vmem>>
        %dma_wait3A_249 = tpu.memref_squeeze %dma_wait3A_248 : memref<1x128xi32, #tpu.memory_space<vmem>> -> memref<128xi32, #tpu.memory_space<vmem>>
        %dma_wait3A_250 = arith.constant 0 : i32
        %dma_wait3A_251 = arith.constant 0 : i32
        %dma_wait3A_252 = tpu.memref_slice %arg2[%dma_wait3A_250, %dma_wait3A_251] : memref<10000x64xf32, #tpu.memory_space<hbm>> -> memref<10000x64xf32, #tpu.memory_space<hbm>>
        tpu.wait_indirect_dma semaphore(%arg14 : memref<!tpu.dma_semaphore, #tpu.memory_space<semaphore_mem>>) src(%dma_wait3A_252 : memref<10000x64xf32, #tpu.memory_space<hbm>>) dst(%arg7 : memref<128x64xf32, #tpu.memory_space<vmem>>)
        %dma_start3A_253 = arith.constant 0 : i32
        %dma_start3A_254 = tpu.memref_slice %arg6[%scan3A_148, %dma_start3A_253] : memref<79x128xi32, #tpu.memory_space<vmem>> -> memref<1x128xi32, #tpu.memory_space<vmem>>
        %dma_start3A_255 = tpu.memref_squeeze %dma_start3A_254 : memref<1x128xi32, #tpu.memory_space<vmem>> -> memref<128xi32, #tpu.memory_space<vmem>>
        %dma_start3A_256 = arith.constant 0 : i32
        %dma_start3A_257 = arith.constant 0 : i32
        %dma_start3A_258 = tpu.memref_slice %arg13[%dma_start3A_256, %dma_start3A_257] : memref<10240x64xf32, #tpu.memory_space<vmem_shared>> -> memref<10240x64xf32, #tpu.memory_space<vmem_shared>>
        tpu.enqueue_indirect_dma source(%arg7 : memref<128x64xf32, #tpu.memory_space<vmem>>) target(%dma_start3A_258 : memref<10240x64xf32, #tpu.memory_space<vmem_shared>>) offsets(%dma_start3A_255 : memref<128xi32, #tpu.memory_space<vmem>>) semaphore(%arg19 : memref<!tpu.dma_semaphore, #tpu.memory_space<semaphore_mem>>) {add = true}
        %ge3A = arith.constant 1 : i32
        %ge3A_259 = arith.cmpi sge, %scan3A_148, %ge3A : i32
        %convert_element_type3A_260 = arith.extui %ge3A_259 : i1 to i32
        %cond3A_261 = arith.constant 0 : i32
        %cond3A_262 = arith.cmpi ne, %convert_element_type3A_260, %cond3A_261 : i32
        scf.if %cond3A_262 {
          %dma_wait3A_270 = arith.constant 0 : i32
          %dma_wait3A_271 = tpu.memref_slice %arg6[%scan3A_148, %dma_wait3A_270] : memref<79x128xi32, #tpu.memory_space<vmem>> -> memref<1x128xi32, #tpu.memory_space<vmem>>
          %dma_wait3A_272 = tpu.memref_squeeze %dma_wait3A_271 : memref<1x128xi32, #tpu.memory_space<vmem>> -> memref<128xi32, #tpu.memory_space<vmem>>
          %dma_wait3A_273 = arith.constant 0 : i32
          %dma_wait3A_274 = arith.constant 0 : i32
          %dma_wait3A_275 = tpu.memref_slice %arg13[%dma_wait3A_273, %dma_wait3A_274] : memref<10240x64xf32, #tpu.memory_space<vmem_shared>> -> memref<10240x64xf32, #tpu.memory_space<vmem_shared>>
          tpu.wait_indirect_dma semaphore(%arg23 : memref<!tpu.dma_semaphore, #tpu.memory_space<semaphore_mem>>) src(%arg11 : memref<128x64xf32, #tpu.memory_space<vmem>>) dst(%dma_wait3A_275 : memref<10240x64xf32, #tpu.memory_space<vmem_shared>>)
        } else {
        }
        %add3A_263 = arith.constant 4 : i32
        %add3A_264 = arith.addi %scan3A_148, %add3A_263 : i32
        %lt3A_265 = arith.constant 79 : i32
        %lt3A_266 = arith.cmpi slt, %add3A_264, %lt3A_265 : i32
        %convert_element_type3A_267 = arith.extui %lt3A_266 : i1 to i32
        %cond3A_268 = arith.constant 0 : i32
        %cond3A_269 = arith.cmpi ne, %convert_element_type3A_267, %cond3A_268 : i32
        scf.if %cond3A_269 {
          %add3A_270 = arith.constant 4 : i32
          %add3A_271 = arith.addi %scan3A_148, %add3A_270 : i32
          %dma_start3A_272 = arith.constant 0 : i32
          %dma_start3A_273 = tpu.memref_slice %arg5[%add3A_271, %dma_start3A_272] : memref<79x128xi32, #tpu.memory_space<vmem>> -> memref<1x128xi32, #tpu.memory_space<vmem>>
          %dma_start3A_274 = tpu.memref_squeeze %dma_start3A_273 : memref<1x128xi32, #tpu.memory_space<vmem>> -> memref<128xi32, #tpu.memory_space<vmem>>
          %dma_start3A_275 = arith.constant 0 : i32
          %dma_start3A_276 = arith.constant 0 : i32
          %dma_start3A_277 = tpu.memref_slice %arg2[%dma_start3A_275, %dma_start3A_276] : memref<10000x64xf32, #tpu.memory_space<hbm>> -> memref<10000x64xf32, #tpu.memory_space<hbm>>
          tpu.enqueue_indirect_dma source(%dma_start3A_277 : memref<10000x64xf32, #tpu.memory_space<hbm>>) target(%arg11 : memref<128x64xf32, #tpu.memory_space<vmem>>) offsets(%dma_start3A_274 : memref<128xi32, #tpu.memory_space<vmem>>) semaphore(%arg18 : memref<!tpu.dma_semaphore, #tpu.memory_space<semaphore_mem>>)
        } else {
        }
      } else {
      }
      %jit3A_162 = arith.constant 5 : i32
      %eq3A_163 = arith.constant 0 : i32
      %eq3A_164 = arith.cmpi eq, %jit3A_162, %eq3A_163 : i32
      %jit3A_165 = arith.constant 1 : i32
      %select_n3A_166 = arith.select %eq3A_164, %jit3A_165, %jit3A_162 : i32
      %rem3A_167 = arith.remsi %scan3A_148, %select_n3A_166 : i32
      %ne3A_168 = arith.constant 0 : i32
      %ne3A_169 = arith.cmpi ne, %rem3A_167, %ne3A_168 : i32
      %lt3A_170 = arith.constant 0 : i32
      %lt3A_171 = arith.cmpi slt, %rem3A_167, %lt3A_170 : i32
      %lt3A_172 = arith.constant 0 : i32
      %lt3A_173 = arith.cmpi slt, %select_n3A_166, %lt3A_172 : i32
      %ne3A_174 = arith.xori %lt3A_171, %lt3A_173 : i1
      %and3A_175 = arith.andi %ne3A_174, %ne3A_169 : i1
      %add3A_176 = arith.addi %rem3A_167, %select_n3A_166 : i32
      %select_n3A_177 = arith.select %and3A_175, %add3A_176, %rem3A_167 : i32
      %eq3A_178 = arith.constant 1 : i32
      %eq3A_179 = arith.cmpi eq, %select_n3A_177, %eq3A_178 : i32
      %convert_element_type3A_180 = arith.extui %eq3A_179 : i1 to i32
      %cond3A_181 = arith.constant 0 : i32
      %cond3A_182 = arith.cmpi ne, %convert_element_type3A_180, %cond3A_181 : i32
      scf.if %cond3A_182 {
        %dma_wait3A_247 = arith.constant 0 : i32
        %dma_wait3A_248 = tpu.memref_slice %arg5[%scan3A_148, %dma_wait3A_247] : memref<79x128xi32, #tpu.memory_space<vmem>> -> memref<1x128xi32, #tpu.memory_space<vmem>>
        %dma_wait3A_249 = tpu.memref_squeeze %dma_wait3A_248 : memref<1x128xi32, #tpu.memory_space<vmem>> -> memref<128xi32, #tpu.memory_space<vmem>>
        %dma_wait3A_250 = arith.constant 0 : i32
        %dma_wait3A_251 = arith.constant 0 : i32
        %dma_wait3A_252 = tpu.memref_slice %arg2[%dma_wait3A_250, %dma_wait3A_251] : memref<10000x64xf32, #tpu.memory_space<hbm>> -> memref<10000x64xf32, #tpu.memory_space<hbm>>
        tpu.wait_indirect_dma semaphore(%arg15 : memref<!tpu.dma_semaphore, #tpu.memory_space<semaphore_mem>>) src(%dma_wait3A_252 : memref<10000x64xf32, #tpu.memory_space<hbm>>) dst(%arg8 : memref<128x64xf32, #tpu.memory_space<vmem>>)
        %dma_start3A_253 = arith.constant 0 : i32
        %dma_start3A_254 = tpu.memref_slice %arg6[%scan3A_148, %dma_start3A_253] : memref<79x128xi32, #tpu.memory_space<vmem>> -> memref<1x128xi32, #tpu.memory_space<vmem>>
        %dma_start3A_255 = tpu.memref_squeeze %dma_start3A_254 : memref<1x128xi32, #tpu.memory_space<vmem>> -> memref<128xi32, #tpu.memory_space<vmem>>
        %dma_start3A_256 = arith.constant 0 : i32
        %dma_start3A_257 = arith.constant 0 : i32
        %dma_start3A_258 = tpu.memref_slice %arg13[%dma_start3A_256, %dma_start3A_257] : memref<10240x64xf32, #tpu.memory_space<vmem_shared>> -> memref<10240x64xf32, #tpu.memory_space<vmem_shared>>
        tpu.enqueue_indirect_dma source(%arg8 : memref<128x64xf32, #tpu.memory_space<vmem>>) target(%dma_start3A_258 : memref<10240x64xf32, #tpu.memory_space<vmem_shared>>) offsets(%dma_start3A_255 : memref<128xi32, #tpu.memory_space<vmem>>) semaphore(%arg20 : memref<!tpu.dma_semaphore, #tpu.memory_space<semaphore_mem>>) {add = true}
        %ge3A = arith.constant 1 : i32
        %ge3A_259 = arith.cmpi sge, %scan3A_148, %ge3A : i32
        %convert_element_type3A_260 = arith.extui %ge3A_259 : i1 to i32
        %cond3A_261 = arith.constant 0 : i32
        %cond3A_262 = arith.cmpi ne, %convert_element_type3A_260, %cond3A_261 : i32
        scf.if %cond3A_262 {
          %dma_wait3A_270 = arith.constant 0 : i32
          %dma_wait3A_271 = tpu.memref_slice %arg6[%scan3A_148, %dma_wait3A_270] : memref<79x128xi32, #tpu.memory_space<vmem>> -> memref<1x128xi32, #tpu.memory_space<vmem>>
          %dma_wait3A_272 = tpu.memref_squeeze %dma_wait3A_271 : memref<1x128xi32, #tpu.memory_space<vmem>> -> memref<128xi32, #tpu.memory_space<vmem>>
          %dma_wait3A_273 = arith.constant 0 : i32
          %dma_wait3A_274 = arith.constant 0 : i32
          %dma_wait3A_275 = tpu.memref_slice %arg13[%dma_wait3A_273, %dma_wait3A_274] : memref<10240x64xf32, #tpu.memory_space<vmem_shared>> -> memref<10240x64xf32, #tpu.memory_space<vmem_shared>>
          tpu.wait_indirect_dma semaphore(%arg19 : memref<!tpu.dma_semaphore, #tpu.memory_space<semaphore_mem>>) src(%arg7 : memref<128x64xf32, #tpu.memory_space<vmem>>) dst(%dma_wait3A_275 : memref<10240x64xf32, #tpu.memory_space<vmem_shared>>)
        } else {
        }
        %add3A_263 = arith.constant 4 : i32
        %add3A_264 = arith.addi %scan3A_148, %add3A_263 : i32
        %lt3A_265 = arith.constant 79 : i32
        %lt3A_266 = arith.cmpi slt, %add3A_264, %lt3A_265 : i32
        %convert_element_type3A_267 = arith.extui %lt3A_266 : i1 to i32
        %cond3A_268 = arith.constant 0 : i32
        %cond3A_269 = arith.cmpi ne, %convert_element_type3A_267, %cond3A_268 : i32
        scf.if %cond3A_269 {
          %add3A_270 = arith.constant 4 : i32
          %add3A_271 = arith.addi %scan3A_148, %add3A_270 : i32
          %dma_start3A_272 = arith.constant 0 : i32
          %dma_start3A_273 = tpu.memref_slice %arg5[%add3A_271, %dma_start3A_272] : memref<79x128xi32, #tpu.memory_space<vmem>> -> memref<1x128xi32, #tpu.memory_space<vmem>>
          %dma_start3A_274 = tpu.memref_squeeze %dma_start3A_273 : memref<1x128xi32, #tpu.memory_space<vmem>> -> memref<128xi32, #tpu.memory_space<vmem>>
          %dma_start3A_275 = arith.constant 0 : i32
          %dma_start3A_276 = arith.constant 0 : i32
          %dma_start3A_277 = tpu.memref_slice %arg2[%dma_start3A_275, %dma_start3A_276] : memref<10000x64xf32, #tpu.memory_space<hbm>> -> memref<10000x64xf32, #tpu.memory_space<hbm>>
          tpu.enqueue_indirect_dma source(%dma_start3A_277 : memref<10000x64xf32, #tpu.memory_space<hbm>>) target(%arg7 : memref<128x64xf32, #tpu.memory_space<vmem>>) offsets(%dma_start3A_274 : memref<128xi32, #tpu.memory_space<vmem>>) semaphore(%arg14 : memref<!tpu.dma_semaphore, #tpu.memory_space<semaphore_mem>>)
        } else {
        }
      } else {
      }
      %jit3A_183 = arith.constant 5 : i32
      %eq3A_184 = arith.constant 0 : i32
      %eq3A_185 = arith.cmpi eq, %jit3A_183, %eq3A_184 : i32
      %jit3A_186 = arith.constant 1 : i32
      %select_n3A_187 = arith.select %eq3A_185, %jit3A_186, %jit3A_183 : i32
      %rem3A_188 = arith.remsi %scan3A_148, %select_n3A_187 : i32
      %ne3A_189 = arith.constant 0 : i32
      %ne3A_190 = arith.cmpi ne, %rem3A_188, %ne3A_189 : i32
      %lt3A_191 = arith.constant 0 : i32
      %lt3A_192 = arith.cmpi slt, %rem3A_188, %lt3A_191 : i32
      %lt3A_193 = arith.constant 0 : i32
      %lt3A_194 = arith.cmpi slt, %select_n3A_187, %lt3A_193 : i32
      %ne3A_195 = arith.xori %lt3A_192, %lt3A_194 : i1
      %and3A_196 = arith.andi %ne3A_195, %ne3A_190 : i1
      %add3A_197 = arith.addi %rem3A_188, %select_n3A_187 : i32
      %select_n3A_198 = arith.select %and3A_196, %add3A_197, %rem3A_188 : i32
      %eq3A_199 = arith.constant 2 : i32
      %eq3A_200 = arith.cmpi eq, %select_n3A_198, %eq3A_199 : i32
      %convert_element_type3A_201 = arith.extui %eq3A_200 : i1 to i32
      %cond3A_202 = arith.constant 0 : i32
      %cond3A_203 = arith.cmpi ne, %convert_element_type3A_201, %cond3A_202 : i32
      scf.if %cond3A_203 {
        %dma_wait3A_247 = arith.constant 0 : i32
        %dma_wait3A_248 = tpu.memref_slice %arg5[%scan3A_148, %dma_wait3A_247] : memref<79x128xi32, #tpu.memory_space<vmem>> -> memref<1x128xi32, #tpu.memory_space<vmem>>
        %dma_wait3A_249 = tpu.memref_squeeze %dma_wait3A_248 : memref<1x128xi32, #tpu.memory_space<vmem>> -> memref<128xi32, #tpu.memory_space<vmem>>
        %dma_wait3A_250 = arith.constant 0 : i32
        %dma_wait3A_251 = arith.constant 0 : i32
        %dma_wait3A_252 = tpu.memref_slice %arg2[%dma_wait3A_250, %dma_wait3A_251] : memref<10000x64xf32, #tpu.memory_space<hbm>> -> memref<10000x64xf32, #tpu.memory_space<hbm>>
        tpu.wait_indirect_dma semaphore(%arg16 : memref<!tpu.dma_semaphore, #tpu.memory_space<semaphore_mem>>) src(%dma_wait3A_252 : memref<10000x64xf32, #tpu.memory_space<hbm>>) dst(%arg9 : memref<128x64xf32, #tpu.memory_space<vmem>>)
        %dma_start3A_253 = arith.constant 0 : i32
        %dma_start3A_254 = tpu.memref_slice %arg6[%scan3A_148, %dma_start3A_253] : memref<79x128xi32, #tpu.memory_space<vmem>> -> memref<1x128xi32, #tpu.memory_space<vmem>>
        %dma_start3A_255 = tpu.memref_squeeze %dma_start3A_254 : memref<1x128xi32, #tpu.memory_space<vmem>> -> memref<128xi32, #tpu.memory_space<vmem>>
        %dma_start3A_256 = arith.constant 0 : i32
        %dma_start3A_257 = arith.constant 0 : i32
        %dma_start3A_258 = tpu.memref_slice %arg13[%dma_start3A_256, %dma_start3A_257] : memref<10240x64xf32, #tpu.memory_space<vmem_shared>> -> memref<10240x64xf32, #tpu.memory_space<vmem_shared>>
        tpu.enqueue_indirect_dma source(%arg9 : memref<128x64xf32, #tpu.memory_space<vmem>>) target(%dma_start3A_258 : memref<10240x64xf32, #tpu.memory_space<vmem_shared>>) offsets(%dma_start3A_255 : memref<128xi32, #tpu.memory_space<vmem>>) semaphore(%arg21 : memref<!tpu.dma_semaphore, #tpu.memory_space<semaphore_mem>>) {add = true}
        %ge3A = arith.constant 1 : i32
        %ge3A_259 = arith.cmpi sge, %scan3A_148, %ge3A : i32
        %convert_element_type3A_260 = arith.extui %ge3A_259 : i1 to i32
        %cond3A_261 = arith.constant 0 : i32
        %cond3A_262 = arith.cmpi ne, %convert_element_type3A_260, %cond3A_261 : i32
        scf.if %cond3A_262 {
          %dma_wait3A_270 = arith.constant 0 : i32
          %dma_wait3A_271 = tpu.memref_slice %arg6[%scan3A_148, %dma_wait3A_270] : memref<79x128xi32, #tpu.memory_space<vmem>> -> memref<1x128xi32, #tpu.memory_space<vmem>>
          %dma_wait3A_272 = tpu.memref_squeeze %dma_wait3A_271 : memref<1x128xi32, #tpu.memory_space<vmem>> -> memref<128xi32, #tpu.memory_space<vmem>>
          %dma_wait3A_273 = arith.constant 0 : i32
          %dma_wait3A_274 = arith.constant 0 : i32
          %dma_wait3A_275 = tpu.memref_slice %arg13[%dma_wait3A_273, %dma_wait3A_274] : memref<10240x64xf32, #tpu.memory_space<vmem_shared>> -> memref<10240x64xf32, #tpu.memory_space<vmem_shared>>
          tpu.wait_indirect_dma semaphore(%arg20 : memref<!tpu.dma_semaphore, #tpu.memory_space<semaphore_mem>>) src(%arg8 : memref<128x64xf32, #tpu.memory_space<vmem>>) dst(%dma_wait3A_275 : memref<10240x64xf32, #tpu.memory_space<vmem_shared>>)
        } else {
        }
        %add3A_263 = arith.constant 4 : i32
        %add3A_264 = arith.addi %scan3A_148, %add3A_263 : i32
        %lt3A_265 = arith.constant 79 : i32
        %lt3A_266 = arith.cmpi slt, %add3A_264, %lt3A_265 : i32
        %convert_element_type3A_267 = arith.extui %lt3A_266 : i1 to i32
        %cond3A_268 = arith.constant 0 : i32
        %cond3A_269 = arith.cmpi ne, %convert_element_type3A_267, %cond3A_268 : i32
        scf.if %cond3A_269 {
          %add3A_270 = arith.constant 4 : i32
          %add3A_271 = arith.addi %scan3A_148, %add3A_270 : i32
          %dma_start3A_272 = arith.constant 0 : i32
          %dma_start3A_273 = tpu.memref_slice %arg5[%add3A_271, %dma_start3A_272] : memref<79x128xi32, #tpu.memory_space<vmem>> -> memref<1x128xi32, #tpu.memory_space<vmem>>
          %dma_start3A_274 = tpu.memref_squeeze %dma_start3A_273 : memref<1x128xi32, #tpu.memory_space<vmem>> -> memref<128xi32, #tpu.memory_space<vmem>>
          %dma_start3A_275 = arith.constant 0 : i32
          %dma_start3A_276 = arith.constant 0 : i32
          %dma_start3A_277 = tpu.memref_slice %arg2[%dma_start3A_275, %dma_start3A_276] : memref<10000x64xf32, #tpu.memory_space<hbm>> -> memref<10000x64xf32, #tpu.memory_space<hbm>>
          tpu.enqueue_indirect_dma source(%dma_start3A_277 : memref<10000x64xf32, #tpu.memory_space<hbm>>) target(%arg8 : memref<128x64xf32, #tpu.memory_space<vmem>>) offsets(%dma_start3A_274 : memref<128xi32, #tpu.memory_space<vmem>>) semaphore(%arg15 : memref<!tpu.dma_semaphore, #tpu.memory_space<semaphore_mem>>)
        } else {
        }
      } else {
      }
      %jit3A_204 = arith.constant 5 : i32
      %eq3A_205 = arith.constant 0 : i32
      %eq3A_206 = arith.cmpi eq, %jit3A_204, %eq3A_205 : i32
      %jit3A_207 = arith.constant 1 : i32
      %select_n3A_208 = arith.select %eq3A_206, %jit3A_207, %jit3A_204 : i32
      %rem3A_209 = arith.remsi %scan3A_148, %select_n3A_208 : i32
      %ne3A_210 = arith.constant 0 : i32
      %ne3A_211 = arith.cmpi ne, %rem3A_209, %ne3A_210 : i32
      %lt3A_212 = arith.constant 0 : i32
      %lt3A_213 = arith.cmpi slt, %rem3A_209, %lt3A_212 : i32
      %lt3A_214 = arith.constant 0 : i32
      %lt3A_215 = arith.cmpi slt, %select_n3A_208, %lt3A_214 : i32
      %ne3A_216 = arith.xori %lt3A_213, %lt3A_215 : i1
      %and3A_217 = arith.andi %ne3A_216, %ne3A_211 : i1
      %add3A_218 = arith.addi %rem3A_209, %select_n3A_208 : i32
      %select_n3A_219 = arith.select %and3A_217, %add3A_218, %rem3A_209 : i32
      %eq3A_220 = arith.constant 3 : i32
      %eq3A_221 = arith.cmpi eq, %select_n3A_219, %eq3A_220 : i32
      %convert_element_type3A_222 = arith.extui %eq3A_221 : i1 to i32
      %cond3A_223 = arith.constant 0 : i32
      %cond3A_224 = arith.cmpi ne, %convert_element_type3A_222, %cond3A_223 : i32
      scf.if %cond3A_224 {
        %dma_wait3A_247 = arith.constant 0 : i32
        %dma_wait3A_248 = tpu.memref_slice %arg5[%scan3A_148, %dma_wait3A_247] : memref<79x128xi32, #tpu.memory_space<vmem>> -> memref<1x128xi32, #tpu.memory_space<vmem>>
        %dma_wait3A_249 = tpu.memref_squeeze %dma_wait3A_248 : memref<1x128xi32, #tpu.memory_space<vmem>> -> memref<128xi32, #tpu.memory_space<vmem>>
        %dma_wait3A_250 = arith.constant 0 : i32
        %dma_wait3A_251 = arith.constant 0 : i32
        %dma_wait3A_252 = tpu.memref_slice %arg2[%dma_wait3A_250, %dma_wait3A_251] : memref<10000x64xf32, #tpu.memory_space<hbm>> -> memref<10000x64xf32, #tpu.memory_space<hbm>>
        tpu.wait_indirect_dma semaphore(%arg17 : memref<!tpu.dma_semaphore, #tpu.memory_space<semaphore_mem>>) src(%dma_wait3A_252 : memref<10000x64xf32, #tpu.memory_space<hbm>>) dst(%arg10 : memref<128x64xf32, #tpu.memory_space<vmem>>)
        %dma_start3A_253 = arith.constant 0 : i32
        %dma_start3A_254 = tpu.memref_slice %arg6[%scan3A_148, %dma_start3A_253] : memref<79x128xi32, #tpu.memory_space<vmem>> -> memref<1x128xi32, #tpu.memory_space<vmem>>
        %dma_start3A_255 = tpu.memref_squeeze %dma_start3A_254 : memref<1x128xi32, #tpu.memory_space<vmem>> -> memref<128xi32, #tpu.memory_space<vmem>>
        %dma_start3A_256 = arith.constant 0 : i32
        %dma_start3A_257 = arith.constant 0 : i32
        %dma_start3A_258 = tpu.memref_slice %arg13[%dma_start3A_256, %dma_start3A_257] : memref<10240x64xf32, #tpu.memory_space<vmem_shared>> -> memref<10240x64xf32, #tpu.memory_space<vmem_shared>>
        tpu.enqueue_indirect_dma source(%arg10 : memref<128x64xf32, #tpu.memory_space<vmem>>) target(%dma_start3A_258 : memref<10240x64xf32, #tpu.memory_space<vmem_shared>>) offsets(%dma_start3A_255 : memref<128xi32, #tpu.memory_space<vmem>>) semaphore(%arg22 : memref<!tpu.dma_semaphore, #tpu.memory_space<semaphore_mem>>) {add = true}
        %ge3A = arith.constant 1 : i32
        %ge3A_259 = arith.cmpi sge, %scan3A_148, %ge3A : i32
        %convert_element_type3A_260 = arith.extui %ge3A_259 : i1 to i32
        %cond3A_261 = arith.constant 0 : i32
        %cond3A_262 = arith.cmpi ne, %convert_element_type3A_260, %cond3A_261 : i32
        scf.if %cond3A_262 {
          %dma_wait3A_270 = arith.constant 0 : i32
          %dma_wait3A_271 = tpu.memref_slice %arg6[%scan3A_148, %dma_wait3A_270] : memref<79x128xi32, #tpu.memory_space<vmem>> -> memref<1x128xi32, #tpu.memory_space<vmem>>
          %dma_wait3A_272 = tpu.memref_squeeze %dma_wait3A_271 : memref<1x128xi32, #tpu.memory_space<vmem>> -> memref<128xi32, #tpu.memory_space<vmem>>
          %dma_wait3A_273 = arith.constant 0 : i32
          %dma_wait3A_274 = arith.constant 0 : i32
          %dma_wait3A_275 = tpu.memref_slice %arg13[%dma_wait3A_273, %dma_wait3A_274] : memref<10240x64xf32, #tpu.memory_space<vmem_shared>> -> memref<10240x64xf32, #tpu.memory_space<vmem_shared>>
          tpu.wait_indirect_dma semaphore(%arg21 : memref<!tpu.dma_semaphore, #tpu.memory_space<semaphore_mem>>) src(%arg9 : memref<128x64xf32, #tpu.memory_space<vmem>>) dst(%dma_wait3A_275 : memref<10240x64xf32, #tpu.memory_space<vmem_shared>>)
        } else {
        }
        %add3A_263 = arith.constant 4 : i32
        %add3A_264 = arith.addi %scan3A_148, %add3A_263 : i32
        %lt3A_265 = arith.constant 79 : i32
        %lt3A_266 = arith.cmpi slt, %add3A_264, %lt3A_265 : i32
        %convert_element_type3A_267 = arith.extui %lt3A_266 : i1 to i32
        %cond3A_268 = arith.constant 0 : i32
        %cond3A_269 = arith.cmpi ne, %convert_element_type3A_267, %cond3A_268 : i32
        scf.if %cond3A_269 {
          %add3A_270 = arith.constant 4 : i32
          %add3A_271 = arith.addi %scan3A_148, %add3A_270 : i32
          %dma_start3A_272 = arith.constant 0 : i32
          %dma_start3A_273 = tpu.memref_slice %arg5[%add3A_271, %dma_start3A_272] : memref<79x128xi32, #tpu.memory_space<vmem>> -> memref<1x128xi32, #tpu.memory_space<vmem>>
          %dma_start3A_274 = tpu.memref_squeeze %dma_start3A_273 : memref<1x128xi32, #tpu.memory_space<vmem>> -> memref<128xi32, #tpu.memory_space<vmem>>
          %dma_start3A_275 = arith.constant 0 : i32
          %dma_start3A_276 = arith.constant 0 : i32
          %dma_start3A_277 = tpu.memref_slice %arg2[%dma_start3A_275, %dma_start3A_276] : memref<10000x64xf32, #tpu.memory_space<hbm>> -> memref<10000x64xf32, #tpu.memory_space<hbm>>
          tpu.enqueue_indirect_dma source(%dma_start3A_277 : memref<10000x64xf32, #tpu.memory_space<hbm>>) target(%arg9 : memref<128x64xf32, #tpu.memory_space<vmem>>) offsets(%dma_start3A_274 : memref<128xi32, #tpu.memory_space<vmem>>) semaphore(%arg16 : memref<!tpu.dma_semaphore, #tpu.memory_space<semaphore_mem>>)
        } else {
        }
      } else {
      }
      %jit3A_225 = arith.constant 5 : i32
      %eq3A_226 = arith.constant 0 : i32
      %eq3A_227 = arith.cmpi eq, %jit3A_225, %eq3A_226 : i32
      %jit3A_228 = arith.constant 1 : i32
      %select_n3A_229 = arith.select %eq3A_227, %jit3A_228, %jit3A_225 : i32
      %rem3A_230 = arith.remsi %scan3A_148, %select_n3A_229 : i32
      %ne3A_231 = arith.constant 0 : i32
      %ne3A_232 = arith.cmpi ne, %rem3A_230, %ne3A_231 : i32
      %lt3A_233 = arith.constant 0 : i32
      %lt3A_234 = arith.cmpi slt, %rem3A_230, %lt3A_233 : i32
      %lt3A_235 = arith.constant 0 : i32
      %lt3A_236 = arith.cmpi slt, %select_n3A_229, %lt3A_235 : i32
      %ne3A_237 = arith.xori %lt3A_234, %lt3A_236 : i1
      %and3A_238 = arith.andi %ne3A_237, %ne3A_232 : i1
      %add3A_239 = arith.addi %rem3A_230, %select_n3A_229 : i32
      %select_n3A_240 = arith.select %and3A_238, %add3A_239, %rem3A_230 : i32
      %eq3A_241 = arith.constant 4 : i32
      %eq3A_242 = arith.cmpi eq, %select_n3A_240, %eq3A_241 : i32
      %convert_element_type3A_243 = arith.extui %eq3A_242 : i1 to i32
      %cond3A_244 = arith.constant 0 : i32
      %cond3A_245 = arith.cmpi ne, %convert_element_type3A_243, %cond3A_244 : i32
      scf.if %cond3A_245 {
        %dma_wait3A_247 = arith.constant 0 : i32
        %dma_wait3A_248 = tpu.memref_slice %arg5[%scan3A_148, %dma_wait3A_247] : memref<79x128xi32, #tpu.memory_space<vmem>> -> memref<1x128xi32, #tpu.memory_space<vmem>>
        %dma_wait3A_249 = tpu.memref_squeeze %dma_wait3A_248 : memref<1x128xi32, #tpu.memory_space<vmem>> -> memref<128xi32, #tpu.memory_space<vmem>>
        %dma_wait3A_250 = arith.constant 0 : i32
        %dma_wait3A_251 = arith.constant 0 : i32
        %dma_wait3A_252 = tpu.memref_slice %arg2[%dma_wait3A_250, %dma_wait3A_251] : memref<10000x64xf32, #tpu.memory_space<hbm>> -> memref<10000x64xf32, #tpu.memory_space<hbm>>
        tpu.wait_indirect_dma semaphore(%arg18 : memref<!tpu.dma_semaphore, #tpu.memory_space<semaphore_mem>>) src(%dma_wait3A_252 : memref<10000x64xf32, #tpu.memory_space<hbm>>) dst(%arg11 : memref<128x64xf32, #tpu.memory_space<vmem>>)
        %dma_start3A_253 = arith.constant 0 : i32
        %dma_start3A_254 = tpu.memref_slice %arg6[%scan3A_148, %dma_start3A_253] : memref<79x128xi32, #tpu.memory_space<vmem>> -> memref<1x128xi32, #tpu.memory_space<vmem>>
        %dma_start3A_255 = tpu.memref_squeeze %dma_start3A_254 : memref<1x128xi32, #tpu.memory_space<vmem>> -> memref<128xi32, #tpu.memory_space<vmem>>
        %dma_start3A_256 = arith.constant 0 : i32
        %dma_start3A_257 = arith.constant 0 : i32
        %dma_start3A_258 = tpu.memref_slice %arg13[%dma_start3A_256, %dma_start3A_257] : memref<10240x64xf32, #tpu.memory_space<vmem_shared>> -> memref<10240x64xf32, #tpu.memory_space<vmem_shared>>
        tpu.enqueue_indirect_dma source(%arg11 : memref<128x64xf32, #tpu.memory_space<vmem>>) target(%dma_start3A_258 : memref<10240x64xf32, #tpu.memory_space<vmem_shared>>) offsets(%dma_start3A_255 : memref<128xi32, #tpu.memory_space<vmem>>) semaphore(%arg23 : memref<!tpu.dma_semaphore, #tpu.memory_space<semaphore_mem>>) {add = true}
        %ge3A = arith.constant 1 : i32
        %ge3A_259 = arith.cmpi sge, %scan3A_148, %ge3A : i32
        %convert_element_type3A_260 = arith.extui %ge3A_259 : i1 to i32
        %cond3A_261 = arith.constant 0 : i32
        %cond3A_262 = arith.cmpi ne, %convert_element_type3A_260, %cond3A_261 : i32
        scf.if %cond3A_262 {
          %dma_wait3A_270 = arith.constant 0 : i32
          %dma_wait3A_271 = tpu.memref_slice %arg6[%scan3A_148, %dma_wait3A_270] : memref<79x128xi32, #tpu.memory_space<vmem>> -> memref<1x128xi32, #tpu.memory_space<vmem>>
          %dma_wait3A_272 = tpu.memref_squeeze %dma_wait3A_271 : memref<1x128xi32, #tpu.memory_space<vmem>> -> memref<128xi32, #tpu.memory_space<vmem>>
          %dma_wait3A_273 = arith.constant 0 : i32
          %dma_wait3A_274 = arith.constant 0 : i32
          %dma_wait3A_275 = tpu.memref_slice %arg13[%dma_wait3A_273, %dma_wait3A_274] : memref<10240x64xf32, #tpu.memory_space<vmem_shared>> -> memref<10240x64xf32, #tpu.memory_space<vmem_shared>>
          tpu.wait_indirect_dma semaphore(%arg22 : memref<!tpu.dma_semaphore, #tpu.memory_space<semaphore_mem>>) src(%arg10 : memref<128x64xf32, #tpu.memory_space<vmem>>) dst(%dma_wait3A_275 : memref<10240x64xf32, #tpu.memory_space<vmem_shared>>)
        } else {
        }
        %add3A_263 = arith.constant 4 : i32
        %add3A_264 = arith.addi %scan3A_148, %add3A_263 : i32
        %lt3A_265 = arith.constant 79 : i32
        %lt3A_266 = arith.cmpi slt, %add3A_264, %lt3A_265 : i32
        %convert_element_type3A_267 = arith.extui %lt3A_266 : i1 to i32
        %cond3A_268 = arith.constant 0 : i32
        %cond3A_269 = arith.cmpi ne, %convert_element_type3A_267, %cond3A_268 : i32
        scf.if %cond3A_269 {
          %add3A_270 = arith.constant 4 : i32
          %add3A_271 = arith.addi %scan3A_148, %add3A_270 : i32
          %dma_start3A_272 = arith.constant 0 : i32
          %dma_start3A_273 = tpu.memref_slice %arg5[%add3A_271, %dma_start3A_272] : memref<79x128xi32, #tpu.memory_space<vmem>> -> memref<1x128xi32, #tpu.memory_space<vmem>>
          %dma_start3A_274 = tpu.memref_squeeze %dma_start3A_273 : memref<1x128xi32, #tpu.memory_space<vmem>> -> memref<128xi32, #tpu.memory_space<vmem>>
          %dma_start3A_275 = arith.constant 0 : i32
          %dma_start3A_276 = arith.constant 0 : i32
          %dma_start3A_277 = tpu.memref_slice %arg2[%dma_start3A_275, %dma_start3A_276] : memref<10000x64xf32, #tpu.memory_space<hbm>> -> memref<10000x64xf32, #tpu.memory_space<hbm>>
          tpu.enqueue_indirect_dma source(%dma_start3A_277 : memref<10000x64xf32, #tpu.memory_space<hbm>>) target(%arg10 : memref<128x64xf32, #tpu.memory_space<vmem>>) offsets(%dma_start3A_274 : memref<128xi32, #tpu.memory_space<vmem>>) semaphore(%arg17 : memref<!tpu.dma_semaphore, #tpu.memory_space<semaphore_mem>>)
        } else {
        }
      } else {
      }
      %scan3A_246 = arith.constant 0 : i32
      scf.yield %scan3A_246 : i32
    }
    %scan3A_128 = arith.constant 79 : i32
    %dma_wait3A_129 = arith.constant 0 : i32
    %dma_wait3A_130 = arith.constant 0 : i32
    %dma_wait3A_131 = tpu.memref_slice %arg6[%dma_wait3A_129, %dma_wait3A_130] : memref<79x128xi32, #tpu.memory_space<vmem>> -> memref<1x128xi32, #tpu.memory_space<vmem>>
    %dma_wait3A_132 = tpu.memref_squeeze %dma_wait3A_131 : memref<1x128xi32, #tpu.memory_space<vmem>> -> memref<128xi32, #tpu.memory_space<vmem>>
    %dma_wait3A_133 = arith.constant 0 : i32
    %dma_wait3A_134 = arith.constant 0 : i32
    %dma_wait3A_135 = tpu.memref_slice %arg13[%dma_wait3A_133, %dma_wait3A_134] : memref<10240x64xf32, #tpu.memory_space<vmem_shared>> -> memref<10240x64xf32, #tpu.memory_space<vmem_shared>>
    tpu.wait_indirect_dma semaphore(%arg22 : memref<!tpu.dma_semaphore, #tpu.memory_space<semaphore_mem>>) src(%arg10 : memref<128x64xf32, #tpu.memory_space<vmem>>) dst(%dma_wait3A_135 : memref<10240x64xf32, #tpu.memory_space<vmem_shared>>)
    %barrier3A_136 = arith.constant 0 : index
    tpu.barrier barrier_id(%barrier3A_136)
    %mul3A_137 = arith.constant 10240 : i32
    %mul3A_138 = arith.muli %arg0, %mul3A_137 : i32
    %add3A_139 = arith.addi %mul3A_138, %mul3A_2 : i32
    %dma_start3A_140 = arith.constant 0 : i32
    %dma_start3A_141 = tpu.memref_slice %arg4[%add3A_139, %dma_start3A_140] : memref<20480x64xf32, #tpu.memory_space<hbm>> -> memref<640x64xf32, #tpu.memory_space<hbm>>
    %dma_start3A_142 = arith.constant 0 : i32
    %dma_start3A_143 = tpu.memref_slice %arg13[%mul3A_2, %dma_start3A_142] : memref<10240x64xf32, #tpu.memory_space<vmem_shared>> -> memref<640x64xf32, #tpu.memory_space<vmem_shared>>
    tpu.enqueue_dma source(%dma_start3A_143 : memref<640x64xf32, #tpu.memory_space<vmem_shared>>) target(%dma_start3A_141 : memref<640x64xf32, #tpu.memory_space<hbm>>) target_semaphore(%arg14 : memref<!tpu.dma_semaphore, #tpu.memory_space<semaphore_mem>>)
    %dma_wait3A_144 = arith.constant 0 : i32
    %dma_wait3A_145 = tpu.memref_slice %arg4[%add3A_139, %dma_wait3A_144] : memref<20480x64xf32, #tpu.memory_space<hbm>> -> memref<640x64xf32, #tpu.memory_space<hbm>>
    %dma_wait3A_146 = arith.constant 0 : i32
    %dma_wait3A_147 = tpu.memref_slice %arg13[%mul3A_2, %dma_wait3A_146] : memref<10240x64xf32, #tpu.memory_space<vmem_shared>> -> memref<640x64xf32, #tpu.memory_space<vmem_shared>>
    tpu.wait_dma2 semaphore(%arg14 : memref<!tpu.dma_semaphore, #tpu.memory_space<semaphore_mem>>) src(%dma_wait3A_147 : memref<640x64xf32, #tpu.memory_space<vmem_shared>>) dst(%dma_wait3A_145 : memref<640x64xf32, #tpu.memory_space<hbm>>)
    return
  }
}

module attributes {stable_mosaic.version = 14 : i64} {
  func.func @body(%arg0: memref<10000x128xf32, #tpu.memory_space<vmem>>, %arg1: memref<128x64xf32, #tpu.memory_space<vmem>>, %arg2: memref<10000x64xf32, #tpu.memory_space<vmem>>) attributes {dimension_semantics = [], scalar_prefetch = 0 : i64, scratch_operands = 0 : i64, tpu.core_type = #tpu.core_type<tc>} {
    %get3A = arith.constant 0 : index
    %get3A_0 = arith.constant 0 : index
    %get3A_1 = vector.load %arg0[%get3A, %get3A_0] : memref<10000x128xf32, #tpu.memory_space<vmem>>, vector<10000x128xf32>
    %get3A_2 = arith.constant 0 : index
    %get3A_3 = arith.constant 0 : index
    %get3A_4 = vector.load %arg1[%get3A_2, %get3A_3] : memref<128x64xf32, #tpu.memory_space<vmem>>, vector<128x64xf32>
    %dot_general3A = arith.constant dense<0.000000e+00> : vector<10000x64xf32>
    %dot_general3A_5 = tpu.matmul %get3A_1, %get3A_4, %dot_general3A {dimension_numbers = #tpu.dot_dimension_numbers<[1], [0], [0], [1], [0, 0, 1, 1], [], []>, transpose_lhs_hint = false} : vector<10000x128xf32>, vector<128x64xf32>, vector<10000x64xf32> -> vector<10000x64xf32>
    %swap3A = arith.constant 0 : index
    %swap3A_6 = arith.constant 0 : index
    %swap3A_7 = vector.load %arg2[%swap3A, %swap3A_6] : memref<10000x64xf32, #tpu.memory_space<vmem>>, vector<10000x64xf32>
    tpu.vector_store %arg2[%swap3A, %swap3A_6], %dot_general3A_5 {strides = array<i32>} : memref<10000x64xf32, #tpu.memory_space<vmem>>, vector<10000x64xf32>,
    return
  }
}

module attributes {stable_mosaic.version = 14 : i64} {
  func.func @body(%arg0: memref<20480x64xf32, #tpu.memory_space<vmem>>, %arg1: memref<20480x16xf32, #tpu.memory_space<vmem>>, %arg2: memref<10000x64xf32, #tpu.memory_space<vmem>>, %arg3: memref<1x64xf32, #tpu.memory_space<vmem>>, %arg4: memref<10000x64xf32, #tpu.memory_space<vmem>>, %arg5: memref<10000x8xf32, #tpu.memory_space<vmem>>) attributes {dimension_semantics = [], scalar_prefetch = 0 : i64, scratch_operands = 0 : i64, tpu.core_type = #tpu.core_type<tc>} {
    %get3A = arith.constant 0 : index
    %get3A_0 = arith.constant 0 : index
    %get3A_1 = vector.load %arg0[%get3A, %get3A_0] : memref<20480x64xf32, #tpu.memory_space<vmem>>, vector<10000x64xf32>
    %get3A_2 = arith.constant 10240 : index
    %get3A_3 = arith.constant 0 : index
    %get3A_4 = vector.load %arg0[%get3A_2, %get3A_3] : memref<20480x64xf32, #tpu.memory_space<vmem>>, vector<10000x64xf32>
    %add3A = arith.addf %get3A_1, %get3A_4 : vector<10000x64xf32>
    %get3A_5 = arith.constant 0 : index
    %get3A_6 = arith.constant 0 : index
    %get3A_7 = vector.load %arg1[%get3A_5, %get3A_6] : memref<20480x16xf32, #tpu.memory_space<vmem>>, vector<10000x1xf32>
    %get3A_8 = arith.constant 10240 : index
    %get3A_9 = arith.constant 0 : index
    %get3A_10 = vector.load %arg1[%get3A_8, %get3A_9] : memref<20480x16xf32, #tpu.memory_space<vmem>>, vector<10000x1xf32>
    %add3A_11 = arith.addf %get3A_7, %get3A_10 : vector<10000x1xf32>
    %max3A = arith.constant 1.000000e+00 : f32
    %max3A_12 = vector.broadcast %max3A : f32 to vector<10000x1xf32>
    %max3A_13 = arith.maximumf %add3A_11, %max3A_12 : vector<10000x1xf32>
    %div3A = vector.broadcast %max3A_13 : vector<10000x1xf32> to vector<10000x64xf32>
    %div3A_14 = arith.divf %add3A, %div3A : vector<10000x64xf32>
    %get3A_15 = arith.constant 0 : index
    %get3A_16 = arith.constant 0 : index
    %get3A_17 = vector.load %arg3[%get3A_15, %get3A_16] : memref<1x64xf32, #tpu.memory_space<vmem>>, vector<1x64xf32>
    %add3A_18 = vector.broadcast %get3A_17 : vector<1x64xf32> to vector<10000x64xf32>
    %add3A_19 = arith.addf %div3A_14, %add3A_18 : vector<10000x64xf32>
    %get3A_20 = arith.constant 0 : index
    %get3A_21 = arith.constant 0 : index
    %get3A_22 = vector.load %arg2[%get3A_20, %get3A_21] : memref<10000x64xf32, #tpu.memory_space<vmem>>, vector<10000x64xf32>
    %add3A_23 = arith.addf %add3A_19, %get3A_22 : vector<10000x64xf32>
    %max3A_24 = arith.constant 0.000000e+00 : f32
    %max3A_25 = vector.broadcast %max3A_24 : f32 to vector<10000x64xf32>
    %max3A_26 = arith.maximumf %add3A_23, %max3A_25 : vector<10000x64xf32>
    %swap3A = arith.constant 0 : index
    %swap3A_27 = arith.constant 0 : index
    %swap3A_28 = vector.load %arg4[%swap3A, %swap3A_27] : memref<10000x64xf32, #tpu.memory_space<vmem>>, vector<10000x64xf32>
    tpu.vector_store %arg4[%swap3A, %swap3A_27], %max3A_26 {strides = array<i32>} : memref<10000x64xf32, #tpu.memory_space<vmem>>, vector<10000x64xf32>,
    %broadcast_in_dim3A = vector.shape_cast %max3A_13 : vector<10000x1xf32> to vector<10000x1xf32>
    %broadcast_in_dim3A_29 = vector.broadcast %broadcast_in_dim3A : vector<10000x1xf32> to vector<10000x8xf32>
    %swap3A_30 = arith.constant 0 : index
    %swap3A_31 = arith.constant 0 : index
    %swap3A_32 = vector.load %arg5[%swap3A_30, %swap3A_31] : memref<10000x8xf32, #tpu.memory_space<vmem>>, vector<10000x8xf32>
    tpu.vector_store %arg5[%swap3A_30, %swap3A_31], %broadcast_in_dim3A_29 {strides = array<i32>} : memref<10000x8xf32, #tpu.memory_space<vmem>>, vector<10000x8xf32>,
    return
  }
}

module attributes {stable_mosaic.version = 14 : i64} {
  func.func @body(%arg0: memref<10000x64xf32, #tpu.memory_space<vmem>>, %arg1: memref<64x128xf32, #tpu.memory_space<vmem>>, %arg2: memref<10000x128xf32, #tpu.memory_space<vmem>>) attributes {dimension_semantics = [], scalar_prefetch = 0 : i64, scratch_operands = 0 : i64, tpu.core_type = #tpu.core_type<tc>} {
    %get3A = arith.constant 0 : index
    %get3A_0 = arith.constant 0 : index
    %get3A_1 = vector.load %arg0[%get3A, %get3A_0] : memref<10000x64xf32, #tpu.memory_space<vmem>>, vector<10000x64xf32>
    %get3A_2 = arith.constant 0 : index
    %get3A_3 = arith.constant 0 : index
    %get3A_4 = vector.load %arg1[%get3A_2, %get3A_3] : memref<64x128xf32, #tpu.memory_space<vmem>>, vector<64x128xf32>
    %dot_general3A = arith.constant dense<0.000000e+00> : vector<10000x128xf32>
    %dot_general3A_5 = tpu.matmul %get3A_1, %get3A_4, %dot_general3A {dimension_numbers = #tpu.dot_dimension_numbers<[1], [0], [0], [1], [0, 0, 1, 1], [], []>, transpose_lhs_hint = false} : vector<10000x64xf32>, vector<64x128xf32>, vector<10000x128xf32> -> vector<10000x128xf32>
    %swap3A = arith.constant 0 : index
    %swap3A_6 = arith.constant 0 : index
    %swap3A_7 = vector.load %arg2[%swap3A, %swap3A_6] : memref<10000x128xf32, #tpu.memory_space<vmem>>, vector<10000x128xf32>
    tpu.vector_store %arg2[%swap3A, %swap3A_6], %dot_general3A_5 {strides = array<i32>} : memref<10000x128xf32, #tpu.memory_space<vmem>>, vector<10000x128xf32>,
    return
  }
}

module attributes {stable_mosaic.version = 14 : i64} {
  func.func @body(%arg0: memref<20480x64xf32, #tpu.memory_space<vmem>>, %arg1: memref<10000x8xf32, #tpu.memory_space<vmem>>, %arg2: memref<10000x128xf32, #tpu.memory_space<vmem>>, %arg3: memref<1x128xf32, #tpu.memory_space<vmem>>, %arg4: memref<64x128xf32, #tpu.memory_space<vmem>>, %arg5: memref<10000x128xf32, #tpu.memory_space<vmem>>) attributes {dimension_semantics = [], scalar_prefetch = 0 : i64, scratch_operands = 0 : i64, tpu.core_type = #tpu.core_type<tc>} {
    %get3A = arith.constant 0 : index
    %get3A_0 = arith.constant 0 : index
    %get3A_1 = vector.load %arg0[%get3A, %get3A_0] : memref<20480x64xf32, #tpu.memory_space<vmem>>, vector<10000x64xf32>
    %get3A_2 = arith.constant 10240 : index
    %get3A_3 = arith.constant 0 : index
    %get3A_4 = vector.load %arg0[%get3A_2, %get3A_3] : memref<20480x64xf32, #tpu.memory_space<vmem>>, vector<10000x64xf32>
    %add3A = arith.addf %get3A_1, %get3A_4 : vector<10000x64xf32>
    %get3A_5 = arith.constant 0 : index
    %get3A_6 = arith.constant 0 : index
    %get3A_7 = vector.load %arg1[%get3A_5, %get3A_6] : memref<10000x8xf32, #tpu.memory_space<vmem>>, vector<10000x1xf32>
    %div3A = vector.broadcast %get3A_7 : vector<10000x1xf32> to vector<10000x64xf32>
    %div3A_8 = arith.divf %add3A, %div3A : vector<10000x64xf32>
    %get3A_9 = arith.constant 0 : index
    %get3A_10 = arith.constant 0 : index
    %get3A_11 = vector.load %arg4[%get3A_9, %get3A_10] : memref<64x128xf32, #tpu.memory_space<vmem>>, vector<64x128xf32>
    %dot_general3A = arith.constant dense<0.000000e+00> : vector<10000x128xf32>
    %dot_general3A_12 = tpu.matmul %div3A_8, %get3A_11, %dot_general3A {dimension_numbers = #tpu.dot_dimension_numbers<[1], [0], [0], [1], [0, 0, 1, 1], [], []>, transpose_lhs_hint = false} : vector<10000x64xf32>, vector<64x128xf32>, vector<10000x128xf32> -> vector<10000x128xf32>
    %get3A_13 = arith.constant 0 : index
    %get3A_14 = arith.constant 0 : index
    %get3A_15 = vector.load %arg3[%get3A_13, %get3A_14] : memref<1x128xf32, #tpu.memory_space<vmem>>, vector<1x128xf32>
    %add3A_16 = vector.broadcast %get3A_15 : vector<1x128xf32> to vector<10000x128xf32>
    %add3A_17 = arith.addf %dot_general3A_12, %add3A_16 : vector<10000x128xf32>
    %get3A_18 = arith.constant 0 : index
    %get3A_19 = arith.constant 0 : index
    %get3A_20 = vector.load %arg2[%get3A_18, %get3A_19] : memref<10000x128xf32, #tpu.memory_space<vmem>>, vector<10000x128xf32>
    %add3A_21 = arith.addf %add3A_17, %get3A_20 : vector<10000x128xf32>
    %swap3A = arith.constant 0 : index
    %swap3A_22 = arith.constant 0 : index
    %swap3A_23 = vector.load %arg5[%swap3A, %swap3A_22] : memref<10000x128xf32, #tpu.memory_space<vmem>>, vector<10000x128xf32>
    tpu.vector_store %arg5[%swap3A, %swap3A_22], %add3A_21 {strides = array<i32>} : memref<10000x128xf32, #tpu.memory_space<vmem>>, vector<10000x128xf32>,
    return
  }
}

</mosaic_0001>

<sc_bundles>
// kernel: kernel.12.cloned.1.call-start
scs
__scs_entry_jumppad:
0x0: {  	(pc) =	sbr.rel $0x88, $3  }
0x1: {  	(tag) =	ssettag $0x0;
	lr =	simm.s32 $0x1  }
0x2: {  	[smem:$0x3F99] =	sst lr;
	_ =	strace $0xD0000000  }
0x3: {  	_ = 	snop  }
0x4: {  	_ = 	snop  }
0x5: {  	_ = 	snop  }
0x6: {  	_ = 	snop  }
0x7: {  	_ = 	snop  }
__scs_overlays_trampoline_lowered:
0x8: {  	[smem:$0x3FA8] =	sst s0  }
0x9: {  	[smem:$0x3FA9] =	sst s1  }
0xa: {  	[smem:$0x3FAA] =	sst s2  }
0xb: {  	[smem:$0x3FAB] =	sst s3  }
0xc: {  	[smem:$0x3FAC] =	sst s4  }
0xd: {  	[smem:$0x3FAD] =	sst s5  }
0xe: {  	[smem:$0x3FAE] =	sst s6  }
0xf: {  	[smem:$0x3FAF] =	sst s7  }
0x10: {  	[smem:$0x3FB0] =	sst s8  }
0x11: {  	[smem:$0x3FB1] =	sst s9;
	s0 =	simm.s32 @!p0 $0x0  }
0x12: {  	s1 =	sld [smem:$0x3F97];
	s0 =	simm.s32 @p0 $0x1  }
0x13: {  	[smem:$0x3FB2] =	sst s0;
	s0 =	simm.s32 @!p1 $0x0  }
0x14: {  	s2 =	sld [smem:$0x3F96];
	s0 =	simm.s32 @p1 $0x1  }
0x15: {  	[smem:$0x3FB3] =	sst s0;
	s0 =	simm.s32 @!p2 $0x0  }
0x16: {  	s3 =	sld [smem:$0x3FDB];
	s0 =	simm.s32 @p2 $0x1  }
0x17: {  	s4 =	simm.s32 $0x1BF5;
	[smem:$0x3FB5] =	sst s0  }
0x18: {  	s0 =	sld [smem:$0x3F98];
	_ =	swait.ge [sflag:s4], $0x0  }
0x19: {  	s7 =	sld [smem:$0x3F99]  }
0x1a: {  	s8 =	sadd.s32 $0xFFFFE003, lr  }
0x1b: {  	s9 =	sadd.s32 $0xFFFFFEF7, lr;
	s5 =	simm.s32 $0xFFFFFFFF;
	p2 =	slt.u32 s8, $0xFFFFF086  }
0x1c: {  	p1 =	slt.u32 s9, $0xF7A;
	s5 =	simm.s32 @!p2 $0x0  }
0x1d: {  	s5 =	simm.s32 @p1 $0x1;
	p0 =	seq.s32 s7, s2  }
0x1e: {  	s7 =	smul.u32 @!p0 $0xF7A, s2;
	p2 =	seq.s32 @!p0 s5, $0x0  }
0x1f: {  	s9 =	smul.u32 $0xF7A, s1;
	s8 =	simm.s32 @!p0 $0x1BF5;
	p2 =	por !p2, p0  }
0x20: {  	[sflag:s8] =	ssyncset.s32 @!p0 $0xFFFFF086;
	s6 =	sadd.s32 @!p0 s3, s7;
	s7 =	simm.s32 @!p0 $0x108  }
0x21: {  	s3 =	sadd.s32 s3, s9;
	s6 =	sadd.s32 @!p0 $0x88, s6;
	s7 =	simm.s32 @p2 $0x1082  }
0x22: {  	[simem:s7], [sflag:s8] =	dma.local @!p0 [hbm:s6], $0xF7A  }
0x23: {  	s9 =	sor.u32 $0xD0000000, s2;
	s6 =	simm.s32 $0x108;
	_ =	swait.ge @!p0 [sflag:s8], $0x0  }
0x24: {  	s3 =	sadd.s32 $0x88, s3;
	s6 =	simm.s32 @!p1 $0x1082;
	[sflag:s4] =	ssyncset.s32 $0xFFFFF086  }
0x25: {  	[simem:s6], [sflag:s4] =	dma.local [hbm:s3], $0xF7A  }
0x26: {  	[smem:$0x3F99] =	sst s1;
	(tag) =	ssettag s2;
	_ =	strace s9  }
0x27: {  	s1 =	sld [smem:$0x3FA9]  }
0x28: {  	s2 =	sld [smem:$0x3FAA]  }
0x29: {  	s4 =	sld [smem:$0x3FAC]  }
0x2a: {  	p0 =	seq.s32 s5, $0x0;
	s5 =	sld [smem:$0x3FAD]  }
0x2b: {  	s6 =	sld [smem:$0x3FAE]  }
0x2c: {  	s7 =	sld [smem:$0x3FAF]  }
0x2d: {  	s3 =	simm.s32 $0x108;
	s8 =	sld [smem:$0x3FB0]  }
0x2e: {  	s3 =	simm.s32 @!p0 $0x1082;
	s9 =	sld [smem:$0x3FB1]  }
0x2f: {  	lr =	sadd.s32 s0, s3;
	s0 =	sld [smem:$0x3FA8]  }
0x30: {  	s3 =	sld [smem:$0x3FAB]  }
0x31: {  	[smem:$0x3FB4] =	sst s10  }
0x32: {  	s10 =	sld [smem:$0x3FB2];
	_ =	sdelay $0x3  }
0x33: {  	p0 =	seq.s32 s10, $0x1;
	s10 =	sld [smem:$0x3FB4];
	_ =	sdelay $0x3  }
0x34: {  	[smem:$0x3FB4] =	sst s10  }
0x35: {  	s10 =	sld [smem:$0x3FB3];
	_ =	sdelay $0x3  }
0x36: {  	p1 =	seq.s32 s10, $0x1;
	s10 =	sld [smem:$0x3FB4];
	_ =	sdelay $0x3  }
0x37: {  	[smem:$0x3FB4] =	sst s10  }
0x38: {  	s10 =	sld [smem:$0x3FB5]  }
0x39: {  	_ = 	snop;
	(pc) =	sbr.ind lr, $3  }
0x3a: {  	_ = 	snop  }
0x3b: {  	_ = 	snop  }
0x3c: {  	p2 =	seq.s32 s10, $0x1;
	s10 =	sld [smem:$0x3FB4]  }
0x3d: {  	_ =	shalt  }
0x3e: {  	_ =	shalt  }
0x3f: {  	_ =	shalt  }
0x40: {  	_ =	shalt  }
0x41: {  	_ =	shalt  }
0x42: {  	_ =	shalt  }
0x43: {  	_ =	shalt  }
0x44: {  	_ =	shalt  }
0x45: {  	_ =	shalt  }
0x46: {  	_ =	shalt  }
0x47: {  	_ =	shalt  }
0x48: {  	_ =	shalt  }
0x49: {  	_ =	shalt  }
0x4a: {  	_ =	shalt  }
0x4b: {  	_ =	shalt  }
0x4c: {  	_ =	shalt  }
0x4d: {  	_ =	shalt  }
0x4e: {  	_ =	shalt  }
0x4f: {  	_ =	shalt  }
0x50: {  	_ =	shalt  }
0x51: {  	_ =	shalt  }
0x52: {  	_ =	shalt  }
0x53: {  	_ =	shalt  }
0x54: {  	_ =	shalt  }
0x55: {  	_ =	shalt  }
0x56: {  	_ =	shalt  }
0x57: {  	_ =	shalt  }
0x58: {  	_ =	shalt  }
0x59: {  	_ =	shalt  }
0x5a: {  	_ =	shalt  }
0x5b: {  	_ =	shalt  }
0x5c: {  	_ =	shalt  }
0x5d: {  	_ =	shalt  }
0x5e: {  	_ =	shalt  }
0x5f: {  	_ =	shalt  }
0x60: {  	_ =	shalt  }
0x61: {  	_ =	shalt  }
0x62: {  	_ =	shalt  }
0x63: {  	_ =	shalt  }
0x64: {  	_ =	shalt  }
0x65: {  	_ =	shalt  }
0x66: {  	_ =	shalt  }
0x67: {  	_ =	shalt  }
0x68: {  	_ =	shalt  }
0x69: {  	_ =	shalt  }
0x6a: {  	_ =	shalt  }
0x6b: {  	_ =	shalt  }
0x6c: {  	_ =	shalt  }
0x6d: {  	_ =	shalt  }
0x6e: {  	_ =	shalt  }
0x6f: {  	_ =	shalt  }
0x70: {  	_ =	shalt  }
0x71: {  	_ =	shalt  }
0x72: {  	_ =	shalt  }
0x73: {  	_ =	shalt  }
0x74: {  	_ =	shalt  }
0x75: {  	_ =	shalt  }
0x76: {  	_ =	shalt  }
0x77: {  	_ =	shalt  }
0x78: {  	_ =	shalt  }
0x79: {  	_ =	shalt  }
0x7a: {  	_ =	shalt  }
0x7b: {  	_ =	shalt  }
0x7c: {  	_ =	shalt  }
0x7d: {  	_ =	shalt  }
0x7e: {  	_ =	shalt  }
0x7f: {  	_ =	shalt  }
0x80: {  	_ =	shalt  }
0x81: {  	_ =	shalt  }
0x82: {  	_ =	shalt  }
0x83: {  	_ =	shalt  }
0x84: {  	_ =	shalt  }
0x85: {  	_ =	shalt  }
0x86: {  	_ =	shalt  }
0x87: {  	_ =	shalt  }
.Lfunc_end0:
.L_simem_size_0:
called_computation.1_lowered:
.L_overlay_start_0:
0x88: {  	s2 =	sld [smem:$0x3FD9]  }
0x89: {  	s3 =	sld [smem:$0x3FFE];
	_ =	sdelay $0x1  }
0x8a: {  	s1 =	srdreg.scid  }
0x8b: {  	s0 =	sand.u32 $0x1, s1  }
0x8c: {  	s17 =	sshll.u32 s0, $0xA;
	s2 =	sadd.s32 s3, s2  }
0x8d: {  	s2 =	sadd.s32 s2, s17  }
0x8e: {  	[smem:$0x3FC0] =	sst s2  }
0x8f: {  	_ = 	snop  }
0x90: {  	s2 =	sld [smem:$0x3FD0];
	(tm) =	ssettm $0x1  }
0x91: {  	s18 =	sld [smem:$0x3FFB];
	_ =	sdelay $0x3  }
0x92: {  	_ =	strace s18  }
0x93: {  	s3 =	sld [smem:$0x3FFC];
	_ =	sdelay $0x3  }
0x94: {  	_ =	strace s3  }
0x95: {  	s3 =	sld [smem:$0x3FFD];
	_ =	sdelay $0x3  }
0x96: {  	_ =	strace s3  }
0x97: {  	_ =	strace $0x8FFFFFFF  }
0x98: {  	s19 =	sld [smem:$0x3FDB];
	_ =	sdelay $0x1  }
0x99: {  	s4 =	simm.s32 $_scs_section_size  }
0x9a: {  	s5 =	simm.s32 $_size__tile_overlayer_lowered;
	s6 =	simm.s32 $_tile_overlayer_lowered  }
0x9b: {  	s22 =	simm.s32 $0x1BFF;
	s21 =	sshll.u32 s6, $0x1;
	s3 =	sadd.s32 s4, s19  }
0x9c: {  	s7 =	simm.s32 $0x0;
	s20 =	sshll.u32 s5, $0x1;
	s5 =	sadd.s32 s21, s3  }
0x9d: {  	[timem:s7], [sflag:s22] =	dma.local [hbm:s5], s20  }
0x9e: {  	_ =	swait.ge [sflag:s22], s20  }
0x9f: {  	s4 =	ssub.s32 $0x0, s20;
	[sflag:s22] =	ssyncset.done $0x0  }
0xa0: {  	[sflag:s22] =	ssyncadd.s32 s4;
	_ =	sdelay $0x1  }
0xa1: {  	s23 =	simm.s32 $0x1B8B  }
0xa2: {  	_ =	swait.ge [sflag:s23], $0x1  }
0xa3: {  	[sflag:s23] =	ssyncset.done $0x0  }
0xa4: {  	s25 =	simm.s32 $0x1B8E;
	s24 =	sld [smem:$0x3FFE];
	[sflag:s23] =	ssyncadd.s32 $0xFFFFFFFF  }
0xa5: {  	s26 =	simm.s32 $execute0_lowered;
	[smem:$0x3FD2] =	sst s25  }
0xa6: {  	s5 =	sshll.u32 s26, $0x1;
	_ =	strace $0x80000049;
	[dreg:$0x1] =	wrdreg $0xFFFFFFFF  }
0xa7: {  	s28 =	simm.s32 $_size_execute0_lowered;
	s3 =	sadd.s32 s3, s5;
	[dreg:$0x0] =	wrdreg $0x0  }
0xa8: {  	s5 =	sshll.u32 s28, $0x1;
	[dreg:$0x2] =	wrdreg s3  }
0xa9: {  	[dreg:$0x3] =	wrdreg s5  }
0xaa: {  	[dreg:$0x4] =	wrdreg $0xC0  }
0xab: {  	_ =	task [dreg:s7], $0x5FFFF  }
0xac: {  	[dreg:$0x1] =	wrdreg $0xFFFFFFFF  }
0xad: {  	[dreg:$0x0] =	wrdreg $0x60  }
0xae: {  	[dreg:$0x2] =	wrdreg s24  }
0xaf: {  	[dreg:$0x3] =	wrdreg s2  }
0xb0: {  	[dreg:$0x4] =	wrdreg $0x10F000  }
0xb1: {  	[dreg:$0x5] =	wrdreg $0x9  }
0xb2: {  	_ =	task.clear_ibuf [dreg:s7], $0x6FFFF;
	_ =	strace $0x90000049  }
0xb3: {  	s29 =	simm.s32 $0x9;
	_ =	strace $0x8000004B  }
0xb4: {  	_ =	swait.ge [sflag:s29], $0x1  }
0xb5: {  	[sflag:s29] =	ssyncadd.s32 $0xFFFFFFFF  }
0xb6: {  	_ =	strace $0x9000004B  }
0xb7: {  	_ =	sfence  }
0xb8: {  	s30 =	sld [smem:$0x0];
	_ =	sdelay $0x2  }
0xb9: {  	s31 =	sshll.u32 s1, $0xD;
	s1 =	sshrl.u32 s1, $0x2  }
0xba: {  	s3 =	sand.u32 $0x4000, s31;
	s1 =	sadd.s32 s1, s30  }
0xbb: {  	s0 =	sor.u32 s3, s0;
	s1 =	sshll.u32 s1, $0x11  }
0xbc: {  	s0 =	sor.u32 s1, s0  }
0xbd: {  	s0 =	sadd.s32 $0x8F2B, s0  }
0xbe: {  	[sflag:s0] =	ssyncadd.remote.s32 $0x1  }
0xbf: {  	_ =	sfence.sel $0xFFFF  }
0xc0: {  	[dreg:$0x0] =	wrdreg $0xFFFFFFFF;
	(pc) =	sbr.abs _section_cstart, $3  }
0xc1: {  	[dreg:$0x1] =	wrdreg $0xFFFFFFFF  }
0xc2: {  	_ =	task.clear_ibuf [dreg:s7], $0x2FFFF;
	_ =	strace $0x9FFFFFFF  }
0xc3: {  	(tm) =	ssettm $0x7FFFFFFF  }
tec
execute0_lowered:
.L_overlay_start_1:
0x0: {  	(tag) =	ssettag $0x1  }
0x1: {  	s0 =	rddreg [dreg:$0x0]  }
0x2: {  	s1 =	rddreg [dreg:$0x1]  }
0x3: {  	s2 =	rddreg [dreg:$0x2]  }
0x4: {  	s4 =	srdreg.scid;
	s9 =	stileid.u32;
	s3 =	simm.s32 $0x0  }
0x5: {  	s15 =	simm.s32 $0xEF00;
	s16 =	simm.s32 $0x6;
	s17 =	simm.s32 $0x1  }
0x6: {  	s18 =	simm.s32 $0x2;
	s19 =	simm.s32 $0x80;
	s20 =	simm.s32 $0x4F00  }
0x7: {  	s21 =	simm.s32 $0x6F00;
	s23 =	simm.s32 $0x8F00;
	s24 =	simm.s32 $0x180  }
0x8: {  	s28 =	simm.s32 $0x9;
	s29 =	simm.s32 $0x0;
	s6 =	smul.u32 $0x1400, s9  }
0x9: {  	s5 =	sand.u32 $0x1, s4;
	[smem:$0x7FF] =	sst s3;
	s26 =	smul.u32 $0x28000, s9  }
0xa: {  	s7 =	smul.u32 $0x14000, s5;
	s4 =	sshll.u32 s5, $0x4;
	_ =	strace $0x8000004A  }
0xb: {  	s5 =	ssub.s32 $0x2, s5;
	s8 =	sor.u32 s9, s4;
	s4 =	sadd.s32 $0x2400, s0  }
0xc: {  	s30 =	sshrl.u32 s5, $0x1;
	s31 =	sshrl.u32 s26, $0x2;
	s25 =	smul.u32 $0x2780, s8  }
0xd: {  	s26 =	simm.s32 $0xCF00;
	s6 =	sadd.s32 s6, s7;
	s8 =	smul.u32 $0x4F0, s8  }
.Ltmp0:
0xe: {  	s13 =	ssub.s32 s5, s30;
	s7 =	sshrl.u32 s25, $0x3;
	(pc) =	sbr.rel .LBB2_1-.Ltmp0, $4  }
0xf: {  	s0 =	sadd.s32 s6, s0;
	s13 =	smax.u32 s13, $0x1;
	s7 =	sadd.s32 s1, s7  }
0x10: {  	s5 =	sadd.s32 s1, s8;
	s6 =	sadd.s32 $0x9E00, s7;
	s7 =	sadd.s32 s31, s2  }
0x11: {  	s12 =	sadd.s32 $0x15E00, s0;
	s25 =	simm.s32 $0xAF00;
	s8 =	sadd.s32 $0x2000, s7  }
0x12: {  	v0 =	vimm.f32 $0.0e+00;
	s9 =	sadd.s32 $0x4000, s7;
	s10 =	sadd.s32 $0x6000, s7;
	s11 =	sadd.s32 $0x8000, s7  }
.LBB2_10:
0x13: {  	_ =	swait.ge [sflag:s28], $0x2000;
	s0 =	stileid.u32  }
0x14: {  	s1 =	sshrl.u32 s7, $0x3;
	s29 =	sadd.s32 $0x1, s29;
	[sflag:s28] =	ssyncset.done $0x0  }
0x15: {  	s0 =	sshll.u32 s0, $0x6;
	p0 =	sne.s32 s29, s13;
	[sflag:s28] =	ssyncadd.s32 $0xFFFFE000  }
.Ltmp1:
0x16: {  	s0 =	sor.u32 $0x1C01, s0;
	[bflag:$0x0] =	sbarrier.arrive $0xFFFF;
	(pc) =	sbr.rel @!p0 .LBB2_11-.Ltmp1, $4  }
0x17: {  	[hbm:s12], [sflag:s0] =	dma.local [spmem:s1], $0x1400  }
0x18: {  	_ =	swait.ge [sflag:s17], $0x1400  }
0x19: {  	[sflag:s17] =	ssyncset.done $0x0  }
0x1a: {  	[sflag:s17] =	ssyncadd.s32 $0xFFFFEC00  }
.LBB2_1:
0x1b: {  	[tilespmem:s3], [sflag:$0x1] =	stream.linear.gather [hbm4b:s5+s3], $0x2780, $0x38;
	[tilespmem:$0x1AF00] =	vst v63  }
0x1c: {  	s0 =	simm.s32 $0x2780  }
0x1d: {  	[tilespmem:s0], [sflag:$0x2] =	stream.linear.gather [hbm4b:s6+s3], $0x2780, $0x38;
	[tilespmem:$0x1AF00] =	vst v63  }
0x1e: {  	s1 =	simm.s32 $0x100;
	s0 =	simm.s32 $0x0  }
.LBB2_2:
0x1f: {  	p0 =	sne.s32 s1, $0x7F00;
	[tilespmem:s0+$0xEF30] =	vst v0;
	s30 =	smov.u32 s1;
	s1 =	sadd.s32 $0x100, s1  }
.Ltmp2:
0x20: {  	[tilespmem:s0+$0xEF20] =	vst v0;
	(pc) =	sbr.rel @p0 .LBB2_2-.Ltmp2, $3  }
0x21: {  	[tilespmem:s0+$0xEF00] =	vst v0  }
0x22: {  	[tilespmem:s0+$0xEF10] =	vst v0;
	_ =	sdelay $0x1  }
0x23: {  	s0 =	sshra.s32 s30, $0x2  }
0x24: {  	[tilespmem:s0+$0xEF30] =	vst v0  }
0x25: {  	[tilespmem:s0+$0xEF20] =	vst v0  }
0x26: {  	[tilespmem:s0+$0xEF00] =	vst v0  }
0x27: {  	[tilespmem:s0+$0xEF10] =	vst v0  }
0x28: {  	[spmem:s7] =	stream.linear.scatter [tilespmem:s15], [sflag:$0x6], $0x2000, $0x38;
	[tilespmem:$0x1AF00] =	vst v63  }
0x29: {  	_ = 	snop  }
0x2a: {  	[spmem:s8] =	stream.linear.scatter [tilespmem:s15], [sflag:$0x6], $0x2000, $0x38;
	[tilespmem:$0x1AF00] =	vst v63  }
0x2b: {  	_ = 	snop  }
0x2c: {  	[spmem:s9] =	stream.linear.scatter [tilespmem:s15], [sflag:$0x6], $0x2000, $0x38;
	[tilespmem:$0x1AF00] =	vst v63  }
0x2d: {  	_ = 	snop  }
0x2e: {  	[spmem:s10] =	stream.linear.scatter [tilespmem:s15], [sflag:$0x6], $0x2000, $0x38;
	[tilespmem:$0x1AF00] =	vst v63  }
0x2f: {  	_ = 	snop  }
0x30: {  	[spmem:s11] =	stream.linear.scatter [tilespmem:s15], [sflag:$0x6], $0x2000, $0x38;
	[tilespmem:$0x1AF00] =	vst v63  }
0x31: {  	_ =	swait.ge [sflag:s16], $0x2000  }
0x32: {  	[sflag:s16] =	ssyncset.done $0x0  }
0x33: {  	[sflag:s16] =	ssyncadd.s32 $0xFFFFE000  }
0x34: {  	_ =	swait.ge [sflag:s16], $0x2000  }
0x35: {  	[sflag:s16] =	ssyncset.done $0x0  }
0x36: {  	[sflag:s16] =	ssyncadd.s32 $0xFFFFE000  }
0x37: {  	_ =	swait.ge [sflag:s16], $0x2000  }
0x38: {  	[sflag:s16] =	ssyncset.done $0x0  }
0x39: {  	[sflag:s16] =	ssyncadd.s32 $0xFFFFE000  }
0x3a: {  	_ =	swait.ge [sflag:s16], $0x2000  }
0x3b: {  	[sflag:s16] =	ssyncset.done $0x0  }
0x3c: {  	[sflag:s16] =	ssyncadd.s32 $0xFFFFE000  }
0x3d: {  	_ =	swait.ge [sflag:s16], $0x2000  }
0x3e: {  	[sflag:s16] =	ssyncset.done $0x0  }
0x3f: {  	[sflag:s16] =	ssyncadd.s32 $0xFFFFE000  }
0x40: {  	_ =	swait.ge [sflag:s17], $0x2780  }
0x41: {  	[sflag:s17] =	ssyncset.done $0x0  }
0x42: {  	[sflag:s17] =	ssyncadd.s32 $0xFFFFD880  }
0x43: {  	_ =	swait.ge [sflag:s18], $0x2780  }
0x44: {  	[sflag:s18] =	ssyncset.done $0x0  }
0x45: {  	[sflag:s18] =	ssyncadd.s32 $0xFFFFD880  }
0x46: {  	s30 =	simm.s32 $0x0;
	[bflag:$0x0] =	sbarrier.arrive $0xFFFF  }
0x47: {  	[tilespmem:s20], [sflag:$0x1] =	stream.indirect.gather [hbm4b:s4+s19], $0x40, s30, s19, $0xb8;
	[tilespmem:$0x1AF00] =	vst v63  }
0x48: {  	_ = 	snop  }
0x49: {  	[tilespmem:s21], [sflag:$0x2] =	stream.indirect.gather [hbm4b:s4+s19], $0x40, s19, s19, $0xb8;
	[tilespmem:$0x1AF00] =	vst v63  }
.Ltmp3:
0x4a: {  	_ = 	snop;
	(pc) =	sbr.rel .LBB2_4-.Ltmp3, $4  }
0x4b: {  	s22 =	simm.s32 $0x100  }
0x4c: {  	[tilespmem:s23], [sflag:$0x3] =	stream.indirect.gather [hbm4b:s4+s19], $0x40, s22, s19, $0xb8;
	[tilespmem:$0x1AF00] =	vst v63  }
0x4d: {  	s31 =	simm.s32 $0x200;
	s0 =	simm.s32 $0x2780  }
0x4e: {  	[tilespmem:s25], [sflag:$0x4] =	stream.indirect.gather [hbm4b:s4+s19], $0x40, s24, s19, $0xb8;
	[tilespmem:$0x1AF00] =	vst v63  }
.LBB2_12:
0x4f: {  	p0 =	seq.s32 s1, $0x2  }
0x50: {  	s14 =	simm.s32 @p0 $0x3  }
0x51: {  	_ =	swait.ge @p0 [sflag:s14], $0x2000  }
0x52: {  	[sflag:s14] =	ssyncset.done @p0 $0x0  }
0x53: {  	s22 =	simm.s32 @p0 $0x8F00;
	[sflag:s14] =	ssyncadd.s32 @p0 $0xFFFFE000;
	s14 =	simm.s32 @p0 $0x80  }
0x54: {  	[spmem:s2] =	stream.indirect.scatter.add.f32 @p0 [tilespmem:s22], [sflag:$0x8], $0x40, s0, s14, $0xb8;
	[tilespmem:$0x1AF00] =	vst v63  }
0x55: {  	s14 =	simm.s32 @p0 $0x7  }
0x56: {  	p1 =	sgt.u32 @p0 s30, $0x4A;
	_ =	swait.ge @p0 [sflag:s14], $0x2000  }
0x57: {  	p1 =	por p1, !p0;
	[sflag:s14] =	ssyncset.done @p0 $0x0  }
0x58: {  	s22 =	simm.s32 @!p1 $0x6F00;
	[sflag:s14] =	ssyncadd.s32 @p0 $0xFFFFE000;
	s14 =	simm.s32 @!p1 $0x80  }
0x59: {  	[tilespmem:s22], [sflag:$0x2] =	stream.indirect.gather @!p1 [hbm4b:s4+s14], $0x40, s31, s14, $0xb8;
	[tilespmem:$0x1AF00] =	vst v63  }
0x5a: {  	p1 =	seq.s32 @!p0 s1, $0x3  }
0x5b: {  	p2 =	por !p1, p0  }
0x5c: {  	s1 =	simm.s32 @!p2 $0x4  }
0x5d: {  	_ =	swait.ge @!p2 [sflag:s1], $0x2000  }
0x5e: {  	s14 =	simm.s32 @!p2 $0xAF00;
	[sflag:s1] =	ssyncset.done @!p2 $0x0  }
0x5f: {  	p3 =	sgt.u32 @!p2 s30, $0x4A;
	[sflag:s1] =	ssyncadd.s32 @!p2 $0xFFFFE000;
	s1 =	simm.s32 @!p2 $0x80  }
0x60: {  	[spmem:s2] =	stream.indirect.scatter.add.f32 @!p2 [tilespmem:s14], [sflag:$0x9], $0x40, s0, s1, $0xb8;
	[tilespmem:$0x1AF00] =	vst v63  }
0x61: {  	p3 =	por @!p0 p3, !p1;
	s1 =	simm.s32 @!p2 $0x8  }
0x62: {  	p3 =	por p3, p0;
	_ =	swait.ge @!p2 [sflag:s1], $0x2000  }
0x63: {  	s14 =	simm.s32 @!p3 $0x8F00;
	[sflag:s1] =	ssyncset.done @!p2 $0x0  }
0x64: {  	[sflag:s1] =	ssyncadd.s32 @!p2 $0xFFFFE000;
	s1 =	simm.s32 @!p3 $0x80;
	p2 =	por p1, p0  }
0x65: {  	[tilespmem:s14], [sflag:$0x3] =	stream.indirect.gather @!p3 [hbm4b:s4+s1], $0x40, s31, s1, $0xb8;
	[tilespmem:$0x1AF00] =	vst v63  }
0x66: {  	s1 =	simm.s32 @!p2 $0x5  }
0x67: {  	_ =	swait.ge @!p2 [sflag:s1], $0x2000  }
0x68: {  	[sflag:s1] =	ssyncset.done @!p2 $0x0  }
0x69: {  	s14 =	simm.s32 @!p2 $0xCF00;
	[sflag:s1] =	ssyncadd.s32 @!p2 $0xFFFFE000;
	s1 =	simm.s32 @!p2 $0x80  }
0x6a: {  	[spmem:s2] =	stream.indirect.scatter.add.f32 @!p2 [tilespmem:s14], [sflag:$0xA], $0x40, s0, s1, $0xb8;
	[tilespmem:$0x1AF00] =	vst v63  }
0x6b: {  	p3 =	sgt.u32 @!p2 s30, $0x4A;
	s1 =	simm.s32 @!p2 $0x9  }
0x6c: {  	p1 =	por @!p0 p3, p1;
	_ =	swait.ge @!p2 [sflag:s1], $0x2000  }
0x6d: {  	p0 =	por p1, p0;
	[sflag:s1] =	ssyncset.done @!p2 $0x0  }
0x6e: {  	s14 =	simm.s32 @!p0 $0xAF00;
	[sflag:s1] =	ssyncadd.s32 @!p2 $0xFFFFE000;
	s1 =	simm.s32 @!p0 $0x80  }
0x6f: {  	[tilespmem:s14], [sflag:$0x4] =	stream.indirect.gather @!p0 [hbm4b:s4+s1], $0x40, s31, s1, $0xb8;
	[tilespmem:$0x1AF00] =	vst v63  }
.LBB2_9:
0x70: {  	s30 =	sadd.s32 $0x1, s30  }
0x71: {  	p0 =	sne.s32 s30, $0x4F  }
.Ltmp4:
0x72: {  	_ = 	snop;
	(pc) =	sbr.rel @!p0 .LBB2_10-.Ltmp4, $2  }
0x73: {  	_ =	sdelay $0x2  }
0x74: {  	s31 =	sadd.s32 $0x80, s31;
	s0 =	sadd.s32 $0x80, s0  }
.LBB2_4:
0x75: {  	s1 =	smul.u32 $0xCD, s30;
	_ =	sdelay $0x1  }
0x76: {  	s1 =	sshrl.u32 s1, $0xA  }
0x77: {  	s1 =	sand.u32 $0x3F, s1  }
0x78: {  	s1 =	smul.u32 $0x5, s1;
	_ =	sdelay $0x1  }
0x79: {  	s1 =	ssub.s32 s30, s1  }
0x7a: {  	s1 =	sand.u32 $0xFF, s1  }
0x7b: {  	p0 =	sgt.s32 s1, $0x1  }
.Ltmp5:
0x7c: {  	_ = 	snop;
	(pc) =	sbr.rel @p0 .LBB2_12-.Ltmp5, $1  }
0x7d: {  	_ =	sdelay $0x3  }
0x7e: {  	p0 =	seq.s32 s1, $0x0  }
.Ltmp6:
0x7f: {  	_ = 	snop;
	(pc) =	sbr.rel @!p0 .LBB2_8-.Ltmp6, $1  }
0x80: {  	_ =	sdelay $0x3  }
0x81: {  	p0 =	seq.s32 s30, $0x0  }
0x82: {  	_ =	swait.ge [sflag:s17], $0x2000;
	p1 =	sgt.u32 @!p0 s30, $0x4A  }
0x83: {  	[sflag:s17] =	ssyncset.done $0x0;
	p1 =	por p0, !p1  }
.Ltmp7:
0x84: {  	s1 =	simm.s32 @!p0 $0xA;
	[sflag:s17] =	ssyncadd.s32 $0xFFFFE000;
	(pc) =	sbr.rel @!p1 .LBB2_9-.Ltmp7, $4  }
0x85: {  	[spmem:s2] =	stream.indirect.scatter.add.f32 [tilespmem:s20], [sflag:$0x6], $0x40, s0, s19, $0xb8;
	[tilespmem:$0x1AF00] =	vst v63  }
0x86: {  	_ =	swait.ge @!p0 [sflag:s1], $0x2000  }
0x87: {  	[sflag:s1] =	ssyncset.done @!p0 $0x0  }
0x88: {  	[sflag:s1] =	ssyncadd.s32 @!p0 $0xFFFFE000  }
.Ltmp8:
0x89: {  	(pc) =	sbr.rel .LBB2_9-.Ltmp8, $2  }
0x8a: {  	_ =	sdelay $0x2  }
0x8b: {  	[tilespmem:s26], [sflag:$0x5] =	stream.indirect.gather [hbm4b:s4+s19], $0x40, s31, s19, $0xb8;
	[tilespmem:$0x1AF00] =	vst v63  }
.LBB2_8:
0x8c: {  	_ =	swait.ge [sflag:s18], $0x2000  }
0x8d: {  	[sflag:s18] =	ssyncset.done $0x0  }
0x8e: {  	[sflag:s18] =	ssyncadd.s32 $0xFFFFE000  }
0x8f: {  	[spmem:s2] =	stream.indirect.scatter.add.f32 [tilespmem:s21], [sflag:$0x7], $0x40, s0, s19, $0xb8;
	[tilespmem:$0x1AF00] =	vst v63  }
.Ltmp9:
0x90: {  	_ = 	snop;
	(pc) =	sbr.rel .LBB2_9-.Ltmp9, $4  }
0x91: {  	_ =	swait.ge [sflag:s16], $0x2000  }
0x92: {  	p0 =	sgt.u32 s30, $0x4A;
	[sflag:s16] =	ssyncset.done $0x0  }
0x93: {  	s1 =	simm.s32 @!p0 $0x80;
	s14 =	simm.s32 @!p0 $0x4F00;
	[sflag:s16] =	ssyncadd.s32 $0xFFFFE000  }
0x94: {  	[tilespmem:s14], [sflag:$0x1] =	stream.indirect.gather @!p0 [hbm4b:s4+s1], $0x40, s31, s1, $0xb8;
	[tilespmem:$0x1AF00] =	vst v63  }
.LBB2_11:
0x95: {  	_ =	sfence.sel $0x180000  }
0x96: {  	[bflag:$0x0] =	sbarrier.arrive $0xFFFF  }
0x97: {  	_ =	strace $0x9000004A  }
0x98: {  	s0 =	stileid.u32;
	[bflag:$0x2] =	sbarrier.arrive $0xFFFF  }
0x99: {  	p0 =	sne.s32 s0, $0x0;
	s0 =	rddreg [dreg:$0x3]  }
0x9a: {  	s0 =	sadd.s32 @!p0 $0x100000, s0  }
0x9b: {  	[sflag:s0] =	ssyncadd.tile.s32 @!p0 $0x1;
	_ =	shalt  }
.Lfunc_end2:
_tile_overlayer_lowered:
.L_overlay_start_2:
0x9c: {  	(tag) =	ssettag $0x2  }
0x9d: {  	s0 =	rddreg [dreg:$0x0];
	s2 =	stileid.u32  }
0x9e: {  	s1 =	rddreg [dreg:$0x1];
	p0 =	sne.s32 s2, $0x0  }
0x9f: {  	s3 =	rddreg [dreg:$0x2];
	[bflag:$0x3] =	sbarrier.arrive $0xFFFF;
	s2 =	simm.s32 @!p0 $0x1C0B  }
0xa0: {  	[timem:s3], [sflag:s2] =	dma.local @!p0 [hbm:s0], s1  }
0xa1: {  	s0 =	simm.s32 @!p0 $0xB  }
0xa2: {  	_ =	swait.ge @!p0 [sflag:s0], s1  }
0xa3: {  	s1 =	ssub.s32 @!p0 $0x0, s1;
	[sflag:s0] =	ssyncset.done @!p0 $0x0  }
0xa4: {  	[sflag:s0] =	ssyncadd.s32 @!p0 s1  }
0xa5: {  	[bflag:$0x3] =	sbarrier.arrive $0xFFFF  }
0xa6: {  	_ =	shalt  }

// kernel: kernel.9.cloned.1.call-start
scs
__scs_entry_jumppad:
0x0: {  	(pc) =	sbr.rel $0x88, $3  }
0x1: {  	(tag) =	ssettag $0x0;
	lr =	simm.s32 $0x1  }
0x2: {  	[smem:$0x3F99] =	sst lr;
	_ =	strace $0xD0000000  }
0x3: {  	_ = 	snop  }
0x4: {  	_ = 	snop  }
0x5: {  	_ = 	snop  }
0x6: {  	_ = 	snop  }
0x7: {  	_ = 	snop  }
__scs_overlays_trampoline_lowered:
0x8: {  	[smem:$0x3FA8] =	sst s0  }
0x9: {  	[smem:$0x3FA9] =	sst s1  }
0xa: {  	[smem:$0x3FAA] =	sst s2  }
0xb: {  	[smem:$0x3FAB] =	sst s3  }
0xc: {  	[smem:$0x3FAC] =	sst s4  }
0xd: {  	[smem:$0x3FAD] =	sst s5  }
0xe: {  	[smem:$0x3FAE] =	sst s6  }
0xf: {  	[smem:$0x3FAF] =	sst s7  }
0x10: {  	[smem:$0x3FB0] =	sst s8  }
0x11: {  	[smem:$0x3FB1] =	sst s9;
	s0 =	simm.s32 @!p0 $0x0  }
0x12: {  	s1 =	sld [smem:$0x3F97];
	s0 =	simm.s32 @p0 $0x1  }
0x13: {  	[smem:$0x3FB2] =	sst s0;
	s0 =	simm.s32 @!p1 $0x0  }
0x14: {  	s2 =	sld [smem:$0x3F96];
	s0 =	simm.s32 @p1 $0x1  }
0x15: {  	[smem:$0x3FB3] =	sst s0;
	s0 =	simm.s32 @!p2 $0x0  }
0x16: {  	s3 =	sld [smem:$0x3FDB];
	s0 =	simm.s32 @p2 $0x1  }
0x17: {  	s4 =	simm.s32 $0x1BF5;
	[smem:$0x3FB5] =	sst s0  }
0x18: {  	s0 =	sld [smem:$0x3F98];
	_ =	swait.ge [sflag:s4], $0x0  }
0x19: {  	s7 =	sld [smem:$0x3F99]  }
0x1a: {  	s8 =	sadd.s32 $0xFFFFE003, lr  }
0x1b: {  	s9 =	sadd.s32 $0xFFFFFEF7, lr;
	s5 =	simm.s32 $0xFFFFFFFF;
	p2 =	slt.u32 s8, $0xFFFFF086  }
0x1c: {  	p1 =	slt.u32 s9, $0xF7A;
	s5 =	simm.s32 @!p2 $0x0  }
0x1d: {  	s5 =	simm.s32 @p1 $0x1;
	p0 =	seq.s32 s7, s2  }
0x1e: {  	s7 =	smul.u32 @!p0 $0xF7A, s2;
	p2 =	seq.s32 @!p0 s5, $0x0  }
0x1f: {  	s9 =	smul.u32 $0xF7A, s1;
	s8 =	simm.s32 @!p0 $0x1BF5;
	p2 =	por !p2, p0  }
0x20: {  	[sflag:s8] =	ssyncset.s32 @!p0 $0xFFFFF086;
	s6 =	sadd.s32 @!p0 s3, s7;
	s7 =	simm.s32 @!p0 $0x108  }
0x21: {  	s3 =	sadd.s32 s3, s9;
	s6 =	sadd.s32 @!p0 $0x88, s6;
	s7 =	simm.s32 @p2 $0x1082  }
0x22: {  	[simem:s7], [sflag:s8] =	dma.local @!p0 [hbm:s6], $0xF7A  }
0x23: {  	s9 =	sor.u32 $0xD0000000, s2;
	s6 =	simm.s32 $0x108;
	_ =	swait.ge @!p0 [sflag:s8], $0x0  }
0x24: {  	s3 =	sadd.s32 $0x88, s3;
	s6 =	simm.s32 @!p1 $0x1082;
	[sflag:s4] =	ssyncset.s32 $0xFFFFF086  }
0x25: {  	[simem:s6], [sflag:s4] =	dma.local [hbm:s3], $0xF7A  }
0x26: {  	[smem:$0x3F99] =	sst s1;
	(tag) =	ssettag s2;
	_ =	strace s9  }
0x27: {  	s1 =	sld [smem:$0x3FA9]  }
0x28: {  	s2 =	sld [smem:$0x3FAA]  }
0x29: {  	s4 =	sld [smem:$0x3FAC]  }
0x2a: {  	p0 =	seq.s32 s5, $0x0;
	s5 =	sld [smem:$0x3FAD]  }
0x2b: {  	s6 =	sld [smem:$0x3FAE]  }
0x2c: {  	s7 =	sld [smem:$0x3FAF]  }
0x2d: {  	s3 =	simm.s32 $0x108;
	s8 =	sld [smem:$0x3FB0]  }
0x2e: {  	s3 =	simm.s32 @!p0 $0x1082;
	s9 =	sld [smem:$0x3FB1]  }
0x2f: {  	lr =	sadd.s32 s0, s3;
	s0 =	sld [smem:$0x3FA8]  }
0x30: {  	s3 =	sld [smem:$0x3FAB]  }
0x31: {  	[smem:$0x3FB4] =	sst s10  }
0x32: {  	s10 =	sld [smem:$0x3FB2];
	_ =	sdelay $0x3  }
0x33: {  	p0 =	seq.s32 s10, $0x1;
	s10 =	sld [smem:$0x3FB4];
	_ =	sdelay $0x3  }
0x34: {  	[smem:$0x3FB4] =	sst s10  }
0x35: {  	s10 =	sld [smem:$0x3FB3];
	_ =	sdelay $0x3  }
0x36: {  	p1 =	seq.s32 s10, $0x1;
	s10 =	sld [smem:$0x3FB4];
	_ =	sdelay $0x3  }
0x37: {  	[smem:$0x3FB4] =	sst s10  }
0x38: {  	s10 =	sld [smem:$0x3FB5]  }
0x39: {  	_ = 	snop;
	(pc) =	sbr.ind lr, $3  }
0x3a: {  	_ = 	snop  }
0x3b: {  	_ = 	snop  }
0x3c: {  	p2 =	seq.s32 s10, $0x1;
	s10 =	sld [smem:$0x3FB4]  }
0x3d: {  	_ =	shalt  }
0x3e: {  	_ =	shalt  }
0x3f: {  	_ =	shalt  }
0x40: {  	_ =	shalt  }
0x41: {  	_ =	shalt  }
0x42: {  	_ =	shalt  }
0x43: {  	_ =	shalt  }
0x44: {  	_ =	shalt  }
0x45: {  	_ =	shalt  }
0x46: {  	_ =	shalt  }
0x47: {  	_ =	shalt  }
0x48: {  	_ =	shalt  }
0x49: {  	_ =	shalt  }
0x4a: {  	_ =	shalt  }
0x4b: {  	_ =	shalt  }
0x4c: {  	_ =	shalt  }
0x4d: {  	_ =	shalt  }
0x4e: {  	_ =	shalt  }
0x4f: {  	_ =	shalt  }
0x50: {  	_ =	shalt  }
0x51: {  	_ =	shalt  }
0x52: {  	_ =	shalt  }
0x53: {  	_ =	shalt  }
0x54: {  	_ =	shalt  }
0x55: {  	_ =	shalt  }
0x56: {  	_ =	shalt  }
0x57: {  	_ =	shalt  }
0x58: {  	_ =	shalt  }
0x59: {  	_ =	shalt  }
0x5a: {  	_ =	shalt  }
0x5b: {  	_ =	shalt  }
0x5c: {  	_ =	shalt  }
0x5d: {  	_ =	shalt  }
0x5e: {  	_ =	shalt  }
0x5f: {  	_ =	shalt  }
0x60: {  	_ =	shalt  }
0x61: {  	_ =	shalt  }
0x62: {  	_ =	shalt  }
0x63: {  	_ =	shalt  }
0x64: {  	_ =	shalt  }
0x65: {  	_ =	shalt  }
0x66: {  	_ =	shalt  }
0x67: {  	_ =	shalt  }
0x68: {  	_ =	shalt  }
0x69: {  	_ =	shalt  }
0x6a: {  	_ =	shalt  }
0x6b: {  	_ =	shalt  }
0x6c: {  	_ =	shalt  }
0x6d: {  	_ =	shalt  }
0x6e: {  	_ =	shalt  }
0x6f: {  	_ =	shalt  }
0x70: {  	_ =	shalt  }
0x71: {  	_ =	shalt  }
0x72: {  	_ =	shalt  }
0x73: {  	_ =	shalt  }
0x74: {  	_ =	shalt  }
0x75: {  	_ =	shalt  }
0x76: {  	_ =	shalt  }
0x77: {  	_ =	shalt  }
0x78: {  	_ =	shalt  }
0x79: {  	_ =	shalt  }
0x7a: {  	_ =	shalt  }
0x7b: {  	_ =	shalt  }
0x7c: {  	_ =	shalt  }
0x7d: {  	_ =	shalt  }
0x7e: {  	_ =	shalt  }
0x7f: {  	_ =	shalt  }
0x80: {  	_ =	shalt  }
0x81: {  	_ =	shalt  }
0x82: {  	_ =	shalt  }
0x83: {  	_ =	shalt  }
0x84: {  	_ =	shalt  }
0x85: {  	_ =	shalt  }
0x86: {  	_ =	shalt  }
0x87: {  	_ =	shalt  }
.Lfunc_end0:
.L_simem_size_0:
called_computation_lowered:
.L_overlay_start_0:
0x88: {  	s2 =	sld [smem:$0x3FD9]  }
0x89: {  	s3 =	sld [smem:$0x3FFE];
	_ =	sdelay $0x1  }
0x8a: {  	s1 =	srdreg.scid  }
0x8b: {  	s0 =	sand.u32 $0x1, s1  }
0x8c: {  	s17 =	sshll.u32 s0, $0xA;
	s2 =	sadd.s32 s3, s2  }
0x8d: {  	s2 =	sadd.s32 s2, s17  }
0x8e: {  	[smem:$0x3FC0] =	sst s2  }
0x8f: {  	_ = 	snop  }
0x90: {  	s2 =	sld [smem:$0x3FD0];
	(tm) =	ssettm $0x1  }
0x91: {  	s18 =	sld [smem:$0x3FFB];
	_ =	sdelay $0x3  }
0x92: {  	_ =	strace s18  }
0x93: {  	s3 =	sld [smem:$0x3FFC];
	_ =	sdelay $0x3  }
0x94: {  	_ =	strace s3  }
0x95: {  	s3 =	sld [smem:$0x3FFD];
	_ =	sdelay $0x3  }
0x96: {  	_ =	strace s3  }
0x97: {  	_ =	strace $0x8FFFFFFF  }
0x98: {  	s19 =	sld [smem:$0x3FDB];
	_ =	sdelay $0x1  }
0x99: {  	s4 =	simm.s32 $_scs_section_size  }
0x9a: {  	s5 =	simm.s32 $_size__tile_overlayer_lowered;
	s6 =	simm.s32 $_tile_overlayer_lowered  }
0x9b: {  	s22 =	simm.s32 $0x1BFF;
	s21 =	sshll.u32 s6, $0x1;
	s3 =	sadd.s32 s4, s19  }
0x9c: {  	s7 =	simm.s32 $0x0;
	s20 =	sshll.u32 s5, $0x1;
	s5 =	sadd.s32 s21, s3  }
0x9d: {  	[timem:s7], [sflag:s22] =	dma.local [hbm:s5], s20  }
0x9e: {  	_ =	swait.ge [sflag:s22], s20  }
0x9f: {  	s4 =	ssub.s32 $0x0, s20;
	[sflag:s22] =	ssyncset.done $0x0  }
0xa0: {  	[sflag:s22] =	ssyncadd.s32 s4;
	_ =	sdelay $0x1  }
0xa1: {  	s23 =	simm.s32 $0x1B8B  }
0xa2: {  	_ =	swait.ge [sflag:s23], $0x1  }
0xa3: {  	[sflag:s23] =	ssyncset.done $0x0  }
0xa4: {  	s25 =	simm.s32 $0x1B8E;
	s24 =	sld [smem:$0x3FFE];
	[sflag:s23] =	ssyncadd.s32 $0xFFFFFFFF  }
0xa5: {  	s26 =	simm.s32 $execute0_lowered;
	[smem:$0x3FD2] =	sst s25  }
0xa6: {  	s5 =	sshll.u32 s26, $0x1;
	_ =	strace $0x80000046;
	[dreg:$0x1] =	wrdreg $0xFFFFFFFF  }
0xa7: {  	s28 =	simm.s32 $_size_execute0_lowered;
	s3 =	sadd.s32 s3, s5;
	[dreg:$0x0] =	wrdreg $0x0  }
0xa8: {  	s5 =	sshll.u32 s28, $0x1;
	[dreg:$0x2] =	wrdreg s3  }
0xa9: {  	[dreg:$0x3] =	wrdreg s5  }
0xaa: {  	[dreg:$0x4] =	wrdreg $0xC0  }
0xab: {  	_ =	task [dreg:s7], $0x5FFFF  }
0xac: {  	[dreg:$0x1] =	wrdreg $0xFFFFFFFF  }
0xad: {  	[dreg:$0x0] =	wrdreg $0x60  }
0xae: {  	[dreg:$0x2] =	wrdreg s24  }
0xaf: {  	[dreg:$0x3] =	wrdreg s2  }
0xb0: {  	[dreg:$0x4] =	wrdreg $0x10F000  }
0xb1: {  	[dreg:$0x5] =	wrdreg $0x1BF000  }
0xb2: {  	[dreg:$0x6] =	wrdreg $0x9  }
0xb3: {  	_ =	task.clear_ibuf [dreg:s7], $0x7FFFF;
	_ =	strace $0x90000046  }
0xb4: {  	s29 =	simm.s32 $0x9;
	_ =	strace $0x80000048  }
0xb5: {  	_ =	swait.ge [sflag:s29], $0x1  }
0xb6: {  	[sflag:s29] =	ssyncadd.s32 $0xFFFFFFFF  }
0xb7: {  	_ =	strace $0x90000048  }
0xb8: {  	_ =	sfence  }
0xb9: {  	s30 =	sld [smem:$0x0];
	_ =	sdelay $0x2  }
0xba: {  	s31 =	sshll.u32 s1, $0xD;
	s1 =	sshrl.u32 s1, $0x2  }
0xbb: {  	s3 =	sand.u32 $0x4000, s31;
	s1 =	sadd.s32 s1, s30  }
0xbc: {  	s0 =	sor.u32 s3, s0;
	s1 =	sshll.u32 s1, $0x11  }
0xbd: {  	s0 =	sor.u32 s1, s0  }
0xbe: {  	s0 =	sadd.s32 $0x8F2B, s0  }
0xbf: {  	[sflag:s0] =	ssyncadd.remote.s32 $0x1  }
0xc0: {  	_ =	sfence.sel $0xFFFF  }
0xc1: {  	[dreg:$0x0] =	wrdreg $0xFFFFFFFF;
	(pc) =	sbr.abs _section_cstart, $3  }
0xc2: {  	[dreg:$0x1] =	wrdreg $0xFFFFFFFF  }
0xc3: {  	_ =	task.clear_ibuf [dreg:s7], $0x2FFFF;
	_ =	strace $0x9FFFFFFF  }
0xc4: {  	(tm) =	ssettm $0x7FFFFFFF  }
0xc5: {  	_ =	shalt  }
tec
execute0_lowered:
.L_overlay_start_1:
0x0: {  	(tag) =	ssettag $0x1  }
0x1: {  	s0 =	rddreg [dreg:$0x0]  }
0x2: {  	s1 =	rddreg [dreg:$0x1];
	s3 =	srdreg.scid  }
0x3: {  	s13 =	stileid.u32;
	s2 =	rddreg [dreg:$0x2];
	s7 =	simm.s32 $0x0  }
0x4: {  	s28 =	simm.s32 $0x2;
	s29 =	simm.s32 $0x80;
	s30 =	simm.s32 $0x4F00  }
0x5: {  	s4 =	sand.u32 $0x1, s3;
	s6 =	smul.u32 $0x280, s13;
	s3 =	rddreg [dreg:$0x3]  }
0x6: {  	s31 =	simm.s32 $0x6F00;
	[smem:$0x7FF] =	sst s7;
	s5 =	smul.u32 $0x2800, s4  }
0x7: {  	s12 =	sshll.u32 s4, $0x4;
	_ =	strace $0x80000047;
	s4 =	ssub.s32 $0x2, s4  }
0x8: {  	s9 =	sor.u32 s13, s12;
	s15 =	sshrl.u32 s4, $0x1;
	s19 =	sadd.s32 $0x80, s6  }
0x9: {  	s21 =	sadd.s32 $0x100, s6;
	s22 =	sadd.s32 $0x180, s6;
	s14 =	smul.u32 $0x4F0, s9  }
0xa: {  	s11 =	sadd.s32 s6, s5;
	s5 =	sadd.s32 $0x2400, s0;
	s9 =	smul.u32 $0x2780, s9  }
0xb: {  	s4 =	ssub.s32 s4, s15;
	s20 =	sshll.u32 s19, $0x6;
	s23 =	sshll.u32 s21, $0x6  }
0xc: {  	s8 =	sshll.u32 s11, $0x3;
	s7 =	sshll.u32 s11, $0x1;
	s11 =	smul.u32 $0x28000, s13  }
0xd: {  	s12 =	sshll.u32 s22, $0x6;
	s6 =	sadd.s32 $0x200, s6;
	s13 =	smul.u32 $0xA000, s13  }
0xe: {  	s24 =	sadd.s32 s12, s2;
	s25 =	sshll.u32 s6, $0x6;
	s6 =	sshll.u32 s6, $0x4  }
0xf: {  	s10 =	sadd.s32 s8, s0;
	s0 =	sadd.s32 s7, s0;
	s16 =	sadd.s32 s1, s14  }
0x10: {  	s17 =	sshrl.u32 s9, $0x3;
	[dreg:$0x9] =	wrdreg s24;
	s9 =	sshll.u32 s19, $0x4  }
0x11: {  	s26 =	sadd.s32 s25, s2;
	s7 =	sshll.u32 s22, $0x4;
	s22 =	simm.s32 $0xEF00  }
0x12: {  	s24 =	simm.s32 $0x6;
	s25 =	simm.s32 $0x7;
	[dreg:$0x5] =	wrdreg s16  }
0x13: {  	s1 =	sadd.s32 s1, s17;
	s18 =	sshrl.u32 s11, $0x2;
	s11 =	sadd.s32 s23, s2  }
0x14: {  	s13 =	sshrl.u32 s13, $0x2;
	[dreg:$0xa] =	wrdreg s26;
	s14 =	sadd.s32 s9, s3  }
0x15: {  	s16 =	sadd.s32 s7, s3;
	s17 =	sadd.s32 s6, s3;
	s19 =	sadd.s32 $0x3DE00, s0  }
0x16: {  	s23 =	simm.s32 $0x1B700;
	s26 =	simm.s32 $0x1;
	s0 =	simm.s32 $0x1AF00  }
.Ltmp0:
0x17: {  	s1 =	sadd.s32 $0x9E00, s1;
	s8 =	sadd.s32 s18, s2;
	(pc) =	sbr.rel .LBB2_1-.Ltmp0, $4  }
0x18: {  	[dreg:$0x8] =	wrdreg s11;
	s13 =	sadd.s32 s13, s3;
	s18 =	sadd.s32 $0x15E00, s10  }
0x19: {  	[dreg:$0x6] =	wrdreg s1;
	s1 =	sadd.s32 s20, s2;
	s20 =	smax.u32 s4, $0x1  }
0x1a: {  	s4 =	simm.s32 $0x0;
	[dreg:$0x7] =	wrdreg s1;
	s1 =	sshll.u32 s21, $0x4  }
0x1b: {  	v0 =	vimm.f32 $0.0e+00;
	v1 =	vimm.f32 $1.000000000e+00;
	s21 =	simm.s32 $0xCF00;
	s15 =	sadd.s32 s1, s3;
	s1 =	simm.s32 $0x9  }
.LBB2_14:
0x1c: {  	_ =	swait.ge [sflag:s1], $0x2000  }
0x1d: {  	[sflag:s1] =	ssyncset.done $0x0  }
0x1e: {  	[sflag:s1] =	ssyncadd.s32 $0xFFFFE000  }
0x1f: {  	s6 =	stileid.u32;
	_ =	swait.ge [sflag:s1], $0x800  }
0x20: {  	s9 =	sshrl.u32 s8, $0x3;
	s12 =	sshrl.u32 s13, $0x3;
	[sflag:s1] =	ssyncset.done $0x0  }
0x21: {  	s4 =	sadd.s32 $0x1, s4;
	s6 =	sshll.u32 s6, $0x6;
	[sflag:s1] =	ssyncadd.s32 $0xFFFFF800  }
0x22: {  	s7 =	sor.u32 $0x1C01, s6;
	s6 =	sor.u32 $0x1C02, s6;
	[bflag:$0x0] =	sbarrier.arrive $0xFFFF  }
0x23: {  	[hbm:s18], [sflag:s7] =	dma.local [spmem:s9], $0x1400  }
0x24: {  	[hbm:s19], [sflag:s6] =	dma.local [spmem:s12], $0x500  }
0x25: {  	p0 =	sne.s32 s4, s20;
	_ =	swait.ge [sflag:s28], $0x500  }
.Ltmp1:
0x26: {  	[sflag:s28] =	ssyncset.done $0x0;
	(pc) =	sbr.rel @!p0 .LBB2_15-.Ltmp1, $4  }
0x27: {  	[sflag:s28] =	ssyncadd.s32 $0xFFFFFB00  }
0x28: {  	_ =	swait.ge [sflag:s26], $0x1400  }
0x29: {  	[sflag:s26] =	ssyncset.done $0x0  }
0x2a: {  	[sflag:s26] =	ssyncadd.s32 $0xFFFFEC00  }
.LBB2_1:
0x2b: {  	s6 =	simm.s32 $0x0;
	s7 =	rddreg [dreg:$0x5]  }
0x2c: {  	[tilespmem:s6], [sflag:$0x1] =	stream.linear.gather [hbm4b:s7+s6], $0x2780, $0x38;
	[tilespmem:$0x1E700] =	vst v63  }
0x2d: {  	s12 =	rddreg [dreg:$0x6];
	s9 =	simm.s32 $0x2780  }
0x2e: {  	[tilespmem:s9], [sflag:$0x2] =	stream.linear.gather [hbm4b:s12+s6], $0x2780, $0x38;
	[tilespmem:$0x1E700] =	vst v63  }
0x2f: {  	s7 =	simm.s32 $0x100;
	s6 =	simm.s32 $0x0  }
.LBB2_2:
0x30: {  	p0 =	sne.s32 s7, $0x7F00;
	[tilespmem:s6+$0xEF30] =	vst v0;
	s9 =	smov.u32 s7;
	s7 =	sadd.s32 $0x100, s7  }
.Ltmp2:
0x31: {  	[tilespmem:s6+$0xEF20] =	vst v0;
	(pc) =	sbr.rel @p0 .LBB2_2-.Ltmp2, $3  }
0x32: {  	[tilespmem:s6+$0xEF00] =	vst v0  }
0x33: {  	[tilespmem:s6+$0xEF10] =	vst v0;
	_ =	sdelay $0x1  }
0x34: {  	s6 =	sshra.s32 s9, $0x2  }
0x35: {  	[tilespmem:s6+$0xEF30] =	vst v0  }
0x36: {  	[tilespmem:s6+$0xEF20] =	vst v0  }
0x37: {  	[tilespmem:s6+$0xEF00] =	vst v0  }
0x38: {  	[tilespmem:s6+$0xEF10] =	vst v0  }
0x39: {  	[spmem:s8] =	stream.linear.scatter [tilespmem:s22], [sflag:$0x6], $0x2000, $0x38;
	[tilespmem:$0x1E700] =	vst v63  }
0x3a: {  	s9 =	rddreg [dreg:$0x7]  }
0x3b: {  	[spmem:s9] =	stream.linear.scatter [tilespmem:s22], [sflag:$0x6], $0x2000, $0x38;
	[tilespmem:$0x1E700] =	vst v63  }
0x3c: {  	s10 =	rddreg [dreg:$0x8]  }
0x3d: {  	[spmem:s10] =	stream.linear.scatter [tilespmem:s22], [sflag:$0x6], $0x2000, $0x38;
	[tilespmem:$0x1E700] =	vst v63  }
0x3e: {  	s11 =	rddreg [dreg:$0x9]  }
0x3f: {  	[spmem:s11] =	stream.linear.scatter [tilespmem:s22], [sflag:$0x6], $0x2000, $0x38;
	[tilespmem:$0x1E700] =	vst v63  }
0x40: {  	s12 =	rddreg [dreg:$0xa];
	s6 =	simm.s32 $0x40;
	s7 =	simm.s32 $0x0  }
0x41: {  	[spmem:s12] =	stream.linear.scatter [tilespmem:s22], [sflag:$0x6], $0x2000, $0x38;
	[tilespmem:$0x1E700] =	vst v63  }
.LBB2_4:
0x42: {  	p0 =	sne.s32 s6, $0x1FC0;
	[tilespmem:s7+$0x1B700] =	vst v0;
	s7 =	smov.u32 s6;
	s6 =	sadd.s32 $0x40, s6  }
.Ltmp3:
0x43: {  	(pc) =	sbr.rel @p0 .LBB2_4-.Ltmp3, $2  }
0x44: {  	_ =	sdelay $0x2  }
0x45: {  	s7 =	sshra.s32 s7, $0x2  }
0x46: {  	[tilespmem:s7+$0x1B700] =	vst v0  }
0x47: {  	[spmem:s13] =	stream.linear.scatter [tilespmem:s23], [sflag:$0x7], $0x800, $0x38;
	[tilespmem:$0x1E700] =	vst v63  }
0x48: {  	_ = 	snop  }
0x49: {  	[spmem:s14] =	stream.linear.scatter [tilespmem:s23], [sflag:$0x7], $0x800, $0x38;
	[tilespmem:$0x1E700] =	vst v63  }
0x4a: {  	_ = 	snop  }
0x4b: {  	[spmem:s15] =	stream.linear.scatter [tilespmem:s23], [sflag:$0x7], $0x800, $0x38;
	[tilespmem:$0x1E700] =	vst v63  }
0x4c: {  	_ = 	snop  }
0x4d: {  	[spmem:s16] =	stream.linear.scatter [tilespmem:s23], [sflag:$0x7], $0x800, $0x38;
	[tilespmem:$0x1E700] =	vst v63  }
0x4e: {  	s6 =	simm.s32 $0x40;
	s7 =	simm.s32 $0x0  }
0x4f: {  	[spmem:s17] =	stream.linear.scatter [tilespmem:s23], [sflag:$0x7], $0x800, $0x38;
	[tilespmem:$0x1E700] =	vst v63  }
.LBB2_6:
0x50: {  	p0 =	sne.s32 s6, $0x1FC0;
	[tilespmem:s7+$0x1AF00] =	vst v1;
	s7 =	smov.u32 s6;
	s6 =	sadd.s32 $0x40, s6  }
.Ltmp4:
0x51: {  	(pc) =	sbr.rel @p0 .LBB2_6-.Ltmp4, $2  }
0x52: {  	_ =	sdelay $0x2  }
0x53: {  	s7 =	sshra.s32 s7, $0x2  }
0x54: {  	[tilespmem:s7+$0x1AF00] =	vst v1  }
0x55: {  	_ =	swait.ge [sflag:s24], $0x2000  }
0x56: {  	[sflag:s24] =	ssyncset.done $0x0  }
0x57: {  	[sflag:s24] =	ssyncadd.s32 $0xFFFFE000  }
0x58: {  	_ =	swait.ge [sflag:s25], $0x800  }
0x59: {  	[sflag:s25] =	ssyncset.done $0x0  }
0x5a: {  	[sflag:s25] =	ssyncadd.s32 $0xFFFFF800  }
0x5b: {  	_ =	swait.ge [sflag:s24], $0x2000  }
0x5c: {  	[sflag:s24] =	ssyncset.done $0x0  }
0x5d: {  	[sflag:s24] =	ssyncadd.s32 $0xFFFFE000  }
0x5e: {  	_ =	swait.ge [sflag:s25], $0x800  }
0x5f: {  	[sflag:s25] =	ssyncset.done $0x0  }
0x60: {  	[sflag:s25] =	ssyncadd.s32 $0xFFFFF800  }
0x61: {  	_ =	swait.ge [sflag:s24], $0x2000  }
0x62: {  	[sflag:s24] =	ssyncset.done $0x0  }
0x63: {  	[sflag:s24] =	ssyncadd.s32 $0xFFFFE000  }
0x64: {  	_ =	swait.ge [sflag:s25], $0x800  }
0x65: {  	[sflag:s25] =	ssyncset.done $0x0  }
0x66: {  	[sflag:s25] =	ssyncadd.s32 $0xFFFFF800  }
0x67: {  	_ =	swait.ge [sflag:s24], $0x2000  }
0x68: {  	[sflag:s24] =	ssyncset.done $0x0  }
0x69: {  	[sflag:s24] =	ssyncadd.s32 $0xFFFFE000  }
0x6a: {  	_ =	swait.ge [sflag:s25], $0x800  }
0x6b: {  	[sflag:s25] =	ssyncset.done $0x0  }
0x6c: {  	[sflag:s25] =	ssyncadd.s32 $0xFFFFF800  }
0x6d: {  	_ =	swait.ge [sflag:s24], $0x2000  }
0x6e: {  	[sflag:s24] =	ssyncset.done $0x0  }
0x6f: {  	[sflag:s24] =	ssyncadd.s32 $0xFFFFE000  }
0x70: {  	_ =	swait.ge [sflag:s25], $0x800  }
0x71: {  	[sflag:s25] =	ssyncset.done $0x0  }
0x72: {  	[sflag:s25] =	ssyncadd.s32 $0xFFFFF800  }
0x73: {  	_ =	swait.ge [sflag:s26], $0x2780  }
0x74: {  	[sflag:s26] =	ssyncset.done $0x0  }
0x75: {  	[sflag:s26] =	ssyncadd.s32 $0xFFFFD880  }
0x76: {  	_ =	swait.ge [sflag:s28], $0x2780  }
0x77: {  	[sflag:s28] =	ssyncset.done $0x0  }
0x78: {  	[sflag:s28] =	ssyncadd.s32 $0xFFFFD880  }
0x79: {  	s6 =	simm.s32 $0x0;
	[bflag:$0x0] =	sbarrier.arrive $0xFFFF  }
0x7a: {  	[tilespmem:s30], [sflag:$0x1] =	stream.indirect.gather [hbm4b:s5+s29], $0x40, s6, s29, $0xb8;
	[tilespmem:$0x1E700] =	vst v63  }
0x7b: {  	_ = 	snop  }
0x7c: {  	[tilespmem:s31], [sflag:$0x2] =	stream.indirect.gather [hbm4b:s5+s29], $0x40, s29, s29, $0xb8;
	[tilespmem:$0x1E700] =	vst v63  }
.Ltmp5:
0x7d: {  	_ = 	snop;
	(pc) =	sbr.rel .LBB2_8-.Ltmp5, $4  }
0x7e: {  	s10 =	simm.s32 $0x100;
	s9 =	simm.s32 $0x8F00;
	s11 =	simm.s32 $0x180  }
0x7f: {  	[tilespmem:s9], [sflag:$0x3] =	stream.indirect.gather [hbm4b:s5+s29], $0x40, s10, s29, $0xb8;
	[tilespmem:$0x1E700] =	vst v63  }
0x80: {  	s12 =	simm.s32 $0xAF00;
	s7 =	simm.s32 $0x200;
	s9 =	simm.s32 $0x2780  }
0x81: {  	[tilespmem:s12], [sflag:$0x4] =	stream.indirect.gather [hbm4b:s5+s29], $0x40, s11, s29, $0xb8;
	[tilespmem:$0x1E700] =	vst v63  }
.LBB2_16:
0x82: {  	p0 =	seq.s32 s10, $0x2  }
0x83: {  	s11 =	simm.s32 @p0 $0x3  }
0x84: {  	_ =	swait.ge @p0 [sflag:s11], $0x2000  }
0x85: {  	[sflag:s11] =	ssyncset.done @p0 $0x0  }
0x86: {  	s12 =	simm.s32 @p0 $0x8F00;
	[sflag:s11] =	ssyncadd.s32 @p0 $0xFFFFE000;
	s11 =	simm.s32 @p0 $0x80  }
0x87: {  	[spmem:s2] =	stream.indirect.scatter.add.f32 @p0 [tilespmem:s12], [sflag:$0x8], $0x40, s9, s11, $0xb8;
	[tilespmem:$0x1E700] =	vst v63  }
0x88: {  	s12 =	simm.s32 @p0 $0x1AF00  }
0x89: {  	[spmem:s3] =	stream.indirect.scatter.add.f32 @p0 [tilespmem:s12], [sflag:$0x8], $0x10, s9, s11, $0xb8;
	[tilespmem:$0x1E700] =	vst v63  }
0x8a: {  	s11 =	simm.s32 @p0 $0x7  }
0x8b: {  	_ =	swait.ge @p0 [sflag:s11], $0x2000  }
0x8c: {  	[sflag:s11] =	ssyncset.done @p0 $0x0  }
0x8d: {  	[sflag:s11] =	ssyncadd.s32 @p0 $0xFFFFE000  }
0x8e: {  	p1 =	sgt.u32 @p0 s6, $0x4A;
	_ =	swait.ge @p0 [sflag:s11], $0x800  }
0x8f: {  	p1 =	por p1, !p0;
	[sflag:s11] =	ssyncset.done @p0 $0x0  }
0x90: {  	s12 =	simm.s32 @!p1 $0x6F00;
	[sflag:s11] =	ssyncadd.s32 @p0 $0xFFFFF800;
	s11 =	simm.s32 @!p1 $0x80  }
0x91: {  	[tilespmem:s12], [sflag:$0x2] =	stream.indirect.gather @!p1 [hbm4b:s5+s11], $0x40, s7, s11, $0xb8;
	[tilespmem:$0x1E700] =	vst v63  }
0x92: {  	p1 =	seq.s32 @!p0 s10, $0x3  }
0x93: {  	p2 =	por !p1, p0  }
0x94: {  	s10 =	simm.s32 @!p2 $0x4  }
0x95: {  	_ =	swait.ge @!p2 [sflag:s10], $0x2000  }
0x96: {  	[sflag:s10] =	ssyncset.done @!p2 $0x0  }
0x97: {  	s11 =	simm.s32 @!p2 $0xAF00;
	[sflag:s10] =	ssyncadd.s32 @!p2 $0xFFFFE000;
	s10 =	simm.s32 @!p2 $0x80  }
0x98: {  	[spmem:s2] =	stream.indirect.scatter.add.f32 @!p2 [tilespmem:s11], [sflag:$0x9], $0x40, s9, s10, $0xb8;
	[tilespmem:$0x1E700] =	vst v63  }
0x99: {  	s11 =	simm.s32 @!p2 $0x1AF00  }
0x9a: {  	[spmem:s3] =	stream.indirect.scatter.add.f32 @!p2 [tilespmem:s11], [sflag:$0x9], $0x10, s9, s10, $0xb8;
	[tilespmem:$0x1E700] =	vst v63  }
0x9b: {  	s10 =	simm.s32 @!p2 $0x8  }
0x9c: {  	_ =	swait.ge @!p2 [sflag:s10], $0x2000  }
0x9d: {  	p3 =	sgt.u32 @!p2 s6, $0x4A;
	[sflag:s10] =	ssyncset.done @!p2 $0x0  }
0x9e: {  	p3 =	por @!p0 p3, !p1;
	[sflag:s10] =	ssyncadd.s32 @!p2 $0xFFFFE000  }
0x9f: {  	p3 =	por p3, p0;
	_ =	swait.ge @!p2 [sflag:s10], $0x800  }
0xa0: {  	s11 =	simm.s32 @!p3 $0x8F00;
	[sflag:s10] =	ssyncset.done @!p2 $0x0  }
0xa1: {  	[sflag:s10] =	ssyncadd.s32 @!p2 $0xFFFFF800;
	s10 =	simm.s32 @!p3 $0x80;
	p2 =	por p1, p0  }
0xa2: {  	[tilespmem:s11], [sflag:$0x3] =	stream.indirect.gather @!p3 [hbm4b:s5+s10], $0x40, s7, s10, $0xb8;
	[tilespmem:$0x1E700] =	vst v63  }
0xa3: {  	s10 =	simm.s32 @!p2 $0x5  }
0xa4: {  	_ =	swait.ge @!p2 [sflag:s10], $0x2000  }
0xa5: {  	[sflag:s10] =	ssyncset.done @!p2 $0x0  }
0xa6: {  	s11 =	simm.s32 @!p2 $0xCF00;
	[sflag:s10] =	ssyncadd.s32 @!p2 $0xFFFFE000;
	s10 =	simm.s32 @!p2 $0x80  }
0xa7: {  	[spmem:s2] =	stream.indirect.scatter.add.f32 @!p2 [tilespmem:s11], [sflag:$0xA], $0x40, s9, s10, $0xb8;
	[tilespmem:$0x1E700] =	vst v63  }
0xa8: {  	s11 =	simm.s32 @!p2 $0x1AF00  }
0xa9: {  	[spmem:s3] =	stream.indirect.scatter.add.f32 @!p2 [tilespmem:s11], [sflag:$0xA], $0x10, s9, s10, $0xb8;
	[tilespmem:$0x1E700] =	vst v63  }
0xaa: {  	s10 =	simm.s32 @!p2 $0x9  }
0xab: {  	_ =	swait.ge @!p2 [sflag:s10], $0x2000  }
0xac: {  	[sflag:s10] =	ssyncset.done @!p2 $0x0  }
0xad: {  	p3 =	sgt.u32 @!p2 s6, $0x4A;
	[sflag:s10] =	ssyncadd.s32 @!p2 $0xFFFFE000  }
0xae: {  	p1 =	por @!p0 p3, p1;
	_ =	swait.ge @!p2 [sflag:s10], $0x800  }
0xaf: {  	p0 =	por p1, p0;
	[sflag:s10] =	ssyncset.done @!p2 $0x0  }
0xb0: {  	s11 =	simm.s32 @!p0 $0xAF00;
	[sflag:s10] =	ssyncadd.s32 @!p2 $0xFFFFF800;
	s10 =	simm.s32 @!p0 $0x80  }
0xb1: {  	[tilespmem:s11], [sflag:$0x4] =	stream.indirect.gather @!p0 [hbm4b:s5+s10], $0x40, s7, s10, $0xb8;
	[tilespmem:$0x1E700] =	vst v63  }
.LBB2_13:
0xb2: {  	s6 =	sadd.s32 $0x1, s6  }
0xb3: {  	p0 =	sne.s32 s6, $0x4F  }
.Ltmp6:
0xb4: {  	_ = 	snop;
	(pc) =	sbr.rel @!p0 .LBB2_14-.Ltmp6, $2  }
0xb5: {  	_ =	sdelay $0x2  }
0xb6: {  	s7 =	sadd.s32 $0x80, s7;
	s9 =	sadd.s32 $0x80, s9  }
.LBB2_8:
0xb7: {  	s10 =	smul.u32 $0xCD, s6;
	_ =	sdelay $0x1  }
0xb8: {  	s10 =	sshrl.u32 s10, $0xA  }
0xb9: {  	s10 =	sand.u32 $0x3F, s10  }
0xba: {  	s10 =	smul.u32 $0x5, s10;
	_ =	sdelay $0x1  }
0xbb: {  	s10 =	ssub.s32 s6, s10  }
0xbc: {  	s10 =	sand.u32 $0xFF, s10  }
0xbd: {  	p0 =	sgt.s32 s10, $0x1  }
.Ltmp7:
0xbe: {  	_ = 	snop;
	(pc) =	sbr.rel @p0 .LBB2_16-.Ltmp7, $1  }
0xbf: {  	_ =	sdelay $0x3  }
0xc0: {  	p0 =	seq.s32 s10, $0x0  }
.Ltmp8:
0xc1: {  	_ = 	snop;
	(pc) =	sbr.rel @!p0 .LBB2_12-.Ltmp8, $1  }
0xc2: {  	_ =	sdelay $0x3  }
0xc3: {  	_ =	swait.ge [sflag:s26], $0x2000  }
0xc4: {  	[sflag:s26] =	ssyncset.done $0x0  }
0xc5: {  	p0 =	seq.s32 s6, $0x0;
	[sflag:s26] =	ssyncadd.s32 $0xFFFFE000  }
0xc6: {  	[spmem:s2] =	stream.indirect.scatter.add.f32 [tilespmem:s30], [sflag:$0x6], $0x40, s9, s29, $0xb8;
	[tilespmem:$0x1E700] =	vst v63  }
0xc7: {  	s10 =	simm.s32 @!p0 $0xA;
	p1 =	sgt.u32 @!p0 s6, $0x4A  }
0xc8: {  	[spmem:s3] =	stream.indirect.scatter.add.f32 [tilespmem:s0], [sflag:$0x6], $0x10, s9, s29, $0xb8;
	[tilespmem:$0x1E700] =	vst v63  }
0xc9: {  	p1 =	por p0, !p1;
	_ =	swait.ge @!p0 [sflag:s10], $0x2000  }
.Ltmp9:
0xca: {  	[sflag:s10] =	ssyncset.done @!p0 $0x0;
	(pc) =	sbr.rel @!p1 .LBB2_13-.Ltmp9, $4  }
0xcb: {  	[sflag:s10] =	ssyncadd.s32 @!p0 $0xFFFFE000  }
0xcc: {  	_ =	swait.ge @!p0 [sflag:s10], $0x800  }
0xcd: {  	[sflag:s10] =	ssyncset.done @!p0 $0x0  }
0xce: {  	[sflag:s10] =	ssyncadd.s32 @!p0 $0xFFFFF800  }
.Ltmp10:
0xcf: {  	(pc) =	sbr.rel .LBB2_13-.Ltmp10, $2  }
0xd0: {  	_ =	sdelay $0x2  }
0xd1: {  	[tilespmem:s21], [sflag:$0x5] =	stream.indirect.gather [hbm4b:s5+s29], $0x40, s7, s29, $0xb8;
	[tilespmem:$0x1E700] =	vst v63  }
.LBB2_12:
0xd2: {  	_ =	swait.ge [sflag:s28], $0x2000  }
0xd3: {  	[sflag:s28] =	ssyncset.done $0x0  }
0xd4: {  	[sflag:s28] =	ssyncadd.s32 $0xFFFFE000  }
0xd5: {  	[spmem:s2] =	stream.indirect.scatter.add.f32 [tilespmem:s31], [sflag:$0x7], $0x40, s9, s29, $0xb8;
	[tilespmem:$0x1E700] =	vst v63  }
0xd6: {  	_ = 	snop  }
0xd7: {  	[spmem:s3] =	stream.indirect.scatter.add.f32 [tilespmem:s0], [sflag:$0x7], $0x10, s9, s29, $0xb8;
	[tilespmem:$0x1E700] =	vst v63  }
0xd8: {  	_ =	swait.ge [sflag:s24], $0x2000  }
0xd9: {  	[sflag:s24] =	ssyncset.done $0x0  }
.Ltmp11:
0xda: {  	[sflag:s24] =	ssyncadd.s32 $0xFFFFE000;
	(pc) =	sbr.rel .LBB2_13-.Ltmp11, $4  }
0xdb: {  	_ =	swait.ge [sflag:s24], $0x800  }
0xdc: {  	p0 =	sgt.u32 s6, $0x4A;
	[sflag:s24] =	ssyncset.done $0x0  }
0xdd: {  	s10 =	simm.s32 @!p0 $0x80;
	s11 =	simm.s32 @!p0 $0x4F00;
	[sflag:s24] =	ssyncadd.s32 $0xFFFFF800  }
0xde: {  	[tilespmem:s11], [sflag:$0x1] =	stream.indirect.gather @!p0 [hbm4b:s5+s10], $0x40, s7, s10, $0xb8;
	[tilespmem:$0x1E700] =	vst v63  }
.LBB2_15:
0xdf: {  	_ =	sfence.sel $0x180000  }
0xe0: {  	[bflag:$0x0] =	sbarrier.arrive $0xFFFF  }
0xe1: {  	_ =	strace $0x90000047  }
0xe2: {  	s0 =	stileid.u32;
	[bflag:$0x2] =	sbarrier.arrive $0xFFFF  }
0xe3: {  	p0 =	sne.s32 s0, $0x0;
	s0 =	rddreg [dreg:$0x4]  }
0xe4: {  	s0 =	sadd.s32 @!p0 $0x100000, s0  }
0xe5: {  	[sflag:s0] =	ssyncadd.tile.s32 @!p0 $0x1;
	_ =	shalt  }
.Lfunc_end2:
_tile_overlayer_lowered:
.L_overlay_start_2:
0xe6: {  	(tag) =	ssettag $0x2  }
0xe7: {  	s0 =	rddreg [dreg:$0x0];
	s2 =	stileid.u32  }
0xe8: {  	s1 =	rddreg [dreg:$0x1];
	p0 =	sne.s32 s2, $0x0  }
0xe9: {  	s3 =	rddreg [dreg:$0x2];
	[bflag:$0x3] =	sbarrier.arrive $0xFFFF;
	s2 =	simm.s32 @!p0 $0x1C0B  }
0xea: {  	[timem:s3], [sflag:s2] =	dma.local @!p0 [hbm:s0], s1  }
0xeb: {  	s0 =	simm.s32 @!p0 $0xB  }
0xec: {  	_ =	swait.ge @!p0 [sflag:s0], s1  }
0xed: {  	s1 =	ssub.s32 @!p0 $0x0, s1;
	[sflag:s0] =	ssyncset.done @!p0 $0x0  }
0xee: {  	[sflag:s0] =	ssyncadd.s32 @!p0 s1  }
0xef: {  	[bflag:$0x3] =	sbarrier.arrive $0xFFFF  }
0xf0: {  	_ =	shalt  }

</sc_bundles>
